<compile_context>
chip_gen: v7x
topology: tpu7x:2x2x1
jax: 0.10.2.dev20260603
libtpu: 0.0.44.dev20260713+nightly
codegen_flags: <defaults>
</compile_context>

<pallas_src>
import functools

import jax
import jax.numpy as jnp
from jax import lax
from jax.experimental import pallas as pl
from jax.experimental.pallas import tpu as pltpu
from jax.experimental.pallas import tpu_sc as plsc

_CH = 128
_L = 16
_W = 128


@functools.cache
def _build(B, E, D):
    info = plsc.get_sparse_core_info()
    nw = info.num_cores * info.num_subcores
    nc = info.num_cores
    bpw = B // nw
    n_chunks = bpw // _CH
    mesh = plsc.VectorSubcoreMesh(core_axis_name="c", subcore_axis_name="s")

    @functools.partial(
        pl.kernel,
        mesh=mesh,
        out_type=jax.ShapeDtypeStruct((B, D), jnp.float32),
        compiler_params=pltpu.CompilerParams(needs_layout_passes=False),
        scratch_types=[
            pltpu.VMEM((n_chunks, _CH), jnp.int32),
            pltpu.VMEM((n_chunks, _CH), jnp.int32),
            pltpu.VMEM((n_chunks, _CH), jnp.int32),
            pltpu.VMEM((bpw,), jnp.float32),
            pltpu.VMEM((_CH, _W), jnp.float32),
            pltpu.VMEM((_CH, _W), jnp.float32),
            pltpu.VMEM((_CH, _W), jnp.float32),
            pltpu.VMEM((_CH, _W), jnp.float32),
            pltpu.VMEM((_CH, _W), jnp.float32),
            pltpu.VMEM((_CH, _W), jnp.float32),
            pltpu.VMEM((_CH, D), jnp.float32),
            pltpu.SemaphoreType.DMA,
            pltpu.SemaphoreType.DMA,
            pltpu.SemaphoreType.DMA,
        ],
    )
    def k(a_idx_hbm, p_idx_hbm, s_idx_hbm, dang_hbm, tab, out_hbm,
          a_idx, p_idx, s_idx, d_v, a0, p0, s0, a1, p1, s1, out_c,
          gsem0, gsem1, wsem):
        wid = lax.axis_index("s") * nc + lax.axis_index("c")
        base = wid * bpw
        cbase = wid * n_chunks
        pltpu.sync_copy(a_idx_hbm.at[pl.ds(cbase, n_chunks)], a_idx)
        pltpu.sync_copy(p_idx_hbm.at[pl.ds(cbase, n_chunks)], p_idx)
        pltpu.sync_copy(s_idx_hbm.at[pl.ds(cbase, n_chunks)], s_idx)
        pltpu.sync_copy(dang_hbm.at[pl.ds(base, bpw)], d_v)
        lanes = lax.iota(jnp.int32, _L)
        dcol = jnp.full((_L,), 3 * E, jnp.int32)
        bufs = ((a0, p0, s0), (a1, p1, s1))
        gsems = (gsem0, gsem1)

        def fire(j):
            bs, sem = bufs[j % 2], gsems[j % 2]
            return [
                pltpu.async_copy(tab.at[a_idx.at[j]], bs[0], sem),
                pltpu.async_copy(tab.at[p_idx.at[j]], bs[1], sem),
                pltpu.async_copy(tab.at[s_idx.at[j]], bs[2], sem),
            ]

        pending = fire(0)
        wh = None
        for j in range(n_chunks):
            nxt = fire(j + 1) if j + 1 < n_chunks else []
            for c in pending:
                c.wait()
            pending = nxt
            if wh is not None:
                wh.wait()

            cur = bufs[j % 2]

            @plsc.parallel_loop(0, _CH, unroll=4)
            def _(r):
                for t in range(3):
                    for h in range(E // _L):
                        c0 = t * E + h * _L
                        out_c[r, pl.ds(c0, _L)] = cur[t][r, pl.ds(c0, _L)]

            for kk in range(_CH // _L):
                d16 = d_v[pl.ds(j * _CH + kk * _L, _L)]
                plsc.store_scatter(out_c, [lanes + kk * _L, dcol], d16)

            wh = pltpu.async_copy(
                out_c, out_hbm.at[pl.ds(base + j * _CH, _CH)], wsem)
        wh.wait()

    return k


def kernel(obs, action_embeddings, parent_embeddings, sibling_embeddings):
    B = obs.shape[0]
    N, E = action_embeddings.shape
    sh = (B // _CH, _CH)
    a = obs[:, 0].astype(jnp.int32).reshape(sh)
    p = obs[:, 1].astype(jnp.int32).reshape(sh)
    s = obs[:, 2].astype(jnp.int32).reshape(sh)
    d = obs[:, 3]
    tab = jnp.concatenate(
        [action_embeddings, parent_embeddings, sibling_embeddings,
         jnp.zeros((N, _W - 3 * E), jnp.float32)], axis=1)
    return _build(B, E, 3 * E + 1)(a, p, s, d, tab)

# --- scband reference (transcript-rebuilt; emitter-appended) ---
"""Pipeline reference for scband-torch-hierarchical-state-manager-37065567764807 (READ-ONLY COPY).

The authoritative reference and input builder live on the scoring server;
editing this copy changes nothing except your own understanding.
"""

import jax, jax.numpy as jnp
import numpy as np

B = 16384
N_ACTION = 100000
N_PARENT = 100000
N_SIBLING = 100000
EMB = 32


def setup_inputs(seed: int = 0) -> dict:
    key = jax.random.key(seed)
    k1, k2, k3, k4 = jax.random.split(key, 4)
    # obs columns: action, parent, sibling, dangling. Integer-valued but stored float32
    # (mirrors the torch module, which casts columns 0-2 to int64 inside forward).
    obs = jax.random.randint(k1, (B, 4), 0, N_ACTION).astype(jnp.float32)
    action_embeddings = jax.random.normal(k2, (N_ACTION, EMB), dtype=jnp.float32) * 0.02
    parent_embeddings = jax.random.normal(k3, (N_PARENT, EMB), dtype=jnp.float32) * 0.02
    sibling_embeddings = jax.random.normal(k4, (N_SIBLING, EMB), dtype=jnp.float32) * 0.02
    return {
        "obs": obs,
        "action_embeddings": action_embeddings,
        "parent_embeddings": parent_embeddings,
        "sibling_embeddings": sibling_embeddings,
    }


def reference(obs, action_embeddings, parent_embeddings, sibling_embeddings):
    # torch.unbind(obs, dim=1)
    action = obs[:, 0].astype(jnp.int32)
    parent = obs[:, 1].astype(jnp.int32)
    sibling = obs[:, 2].astype(jnp.int32)
    dangling = obs[:, 3]
    observations = []
    # observe_action -> embedding lookup
    observations.append(jnp.take(action_embeddings, action, axis=0))
    # observe_parent -> embedding lookup
    observations.append(jnp.take(parent_embeddings, parent, axis=0))
    # observe_sibling -> embedding lookup
    observations.append(jnp.take(sibling_embeddings, sibling, axis=0))
    # observe_dangling -> raw scalar feature
    observations.append(dangling[:, None])
    input_ = jnp.concatenate(observations, axis=-1)
    return input_

if __name__ == "__main__":
    import jax
    _d = setup_inputs()
    print(jax.jit(kernel)(*tuple(_d.values())))

</pallas_src>

<mosaic_0001>
#map = affine_map<(d0, d1) -> (0, 0)>
#map1 = affine_map<(d0, d1) -> (0)>
module attributes {stable_mosaic.version = 14 : i64} {
  func.func @k(%arg0: i32, %arg1: i32, %arg2: memref<128x128xi32, #tpu.memory_space<hbm>>, %arg3: memref<128x128xi32, #tpu.memory_space<hbm>>, %arg4: memref<128x128xi32, #tpu.memory_space<hbm>>, %arg5: memref<16384xf32, #tpu.memory_space<hbm>>, %arg6: memref<100000x128xf32, #tpu.memory_space<hbm>>, %arg7: memref<16384x97xf32, #tpu.memory_space<hbm>>, %arg8: memref<4x128xi32, #tpu.memory_space<vmem>>, %arg9: memref<4x128xi32, #tpu.memory_space<vmem>>, %arg10: memref<4x128xi32, #tpu.memory_space<vmem>>, %arg11: memref<512xf32, #tpu.memory_space<vmem>>, %arg12: memref<128x128xf32, #tpu.memory_space<vmem>>, %arg13: memref<128x128xf32, #tpu.memory_space<vmem>>, %arg14: memref<128x128xf32, #tpu.memory_space<vmem>>, %arg15: memref<128x128xf32, #tpu.memory_space<vmem>>, %arg16: memref<128x128xf32, #tpu.memory_space<vmem>>, %arg17: memref<128x128xf32, #tpu.memory_space<vmem>>, %arg18: memref<128x97xf32, #tpu.memory_space<vmem>>, %arg19: memref<!tpu.dma_semaphore, #tpu.memory_space<semaphore_mem>>, %arg20: memref<!tpu.dma_semaphore, #tpu.memory_space<semaphore_mem>>, %arg21: memref<!tpu.dma_semaphore, #tpu.memory_space<semaphore_mem>>) attributes {dimension_semantics = [#tpu.dimension_semantics<core_parallel>, #tpu.dimension_semantics<subcore_parallel>], iteration_bounds = array<i64: 2, 16>, scalar_prefetch = 0 : i64, scratch_operands = 14 : i64, tpu.core_type = #tpu.core_type<sc_vector_subcore>, window_params = [{transform_indices = #map}, {transform_indices = #map}, {transform_indices = #map}, {transform_indices = #map1}, {transform_indices = #map}, {transform_indices = #map}]} {
    %mul3A = arith.constant 2 : i32
    %mul3A_0 = arith.muli %arg1, %mul3A : i32
    %add3A = arith.addi %mul3A_0, %arg0 : i32
    %mul3A_1 = arith.constant 512 : i32
    %mul3A_2 = arith.muli %add3A, %mul3A_1 : i32
    %mul3A_3 = arith.constant 4 : i32
    %mul3A_4 = arith.muli %add3A, %mul3A_3 : i32
    "tpu.region"() ({
      %run_scoped3A = tpu.sem_alloc : memref<!tpu.dma_semaphore, #tpu.memory_space<semaphore_mem>>
      %dma_start3A_382 = arith.constant 0 : i32
      %dma_start3A_383 = tpu.memref_slice %arg2[%mul3A_4, %dma_start3A_382] : memref<128x128xi32, #tpu.memory_space<hbm>> -> memref<4x128xi32, #tpu.memory_space<hbm>>
      %dma_start3A_384 = arith.constant 0 : i32
      %dma_start3A_385 = tpu.memref_slice %arg2[%mul3A_4, %dma_start3A_384] : memref<128x128xi32, #tpu.memory_space<hbm>> -> memref<4x128xi32, #tpu.memory_space<hbm>>
      tpu.enqueue_dma source(%dma_start3A_385 : memref<4x128xi32, #tpu.memory_space<hbm>>) target(%arg8 : memref<4x128xi32, #tpu.memory_space<vmem>>) target_semaphore(%run_scoped3A : memref<!tpu.dma_semaphore, #tpu.memory_space<semaphore_mem>>)
      %dma_wait3A_386 = arith.constant 0 : i32
      %dma_wait3A_387 = tpu.memref_slice %arg2[%mul3A_4, %dma_wait3A_386] : memref<128x128xi32, #tpu.memory_space<hbm>> -> memref<4x128xi32, #tpu.memory_space<hbm>>
      %dma_wait3A_388 = arith.constant 0 : i32
      %dma_wait3A_389 = tpu.memref_slice %arg2[%mul3A_4, %dma_wait3A_388] : memref<128x128xi32, #tpu.memory_space<hbm>> -> memref<4x128xi32, #tpu.memory_space<hbm>>
      tpu.wait_dma2 semaphore(%run_scoped3A : memref<!tpu.dma_semaphore, #tpu.memory_space<semaphore_mem>>) src(%dma_wait3A_389 : memref<4x128xi32, #tpu.memory_space<hbm>>) dst(%arg8 : memref<4x128xi32, #tpu.memory_space<vmem>>)
      tpu.yield
    }) : () -> ()
    "tpu.region"() ({
      %run_scoped3A = tpu.sem_alloc : memref<!tpu.dma_semaphore, #tpu.memory_space<semaphore_mem>>
      %dma_start3A_382 = arith.constant 0 : i32
      %dma_start3A_383 = tpu.memref_slice %arg3[%mul3A_4, %dma_start3A_382] : memref<128x128xi32, #tpu.memory_space<hbm>> -> memref<4x128xi32, #tpu.memory_space<hbm>>
      %dma_start3A_384 = arith.constant 0 : i32
      %dma_start3A_385 = tpu.memref_slice %arg3[%mul3A_4, %dma_start3A_384] : memref<128x128xi32, #tpu.memory_space<hbm>> -> memref<4x128xi32, #tpu.memory_space<hbm>>
      tpu.enqueue_dma source(%dma_start3A_385 : memref<4x128xi32, #tpu.memory_space<hbm>>) target(%arg9 : memref<4x128xi32, #tpu.memory_space<vmem>>) target_semaphore(%run_scoped3A : memref<!tpu.dma_semaphore, #tpu.memory_space<semaphore_mem>>)
      %dma_wait3A_386 = arith.constant 0 : i32
      %dma_wait3A_387 = tpu.memref_slice %arg3[%mul3A_4, %dma_wait3A_386] : memref<128x128xi32, #tpu.memory_space<hbm>> -> memref<4x128xi32, #tpu.memory_space<hbm>>
      %dma_wait3A_388 = arith.constant 0 : i32
      %dma_wait3A_389 = tpu.memref_slice %arg3[%mul3A_4, %dma_wait3A_388] : memref<128x128xi32, #tpu.memory_space<hbm>> -> memref<4x128xi32, #tpu.memory_space<hbm>>
      tpu.wait_dma2 semaphore(%run_scoped3A : memref<!tpu.dma_semaphore, #tpu.memory_space<semaphore_mem>>) src(%dma_wait3A_389 : memref<4x128xi32, #tpu.memory_space<hbm>>) dst(%arg9 : memref<4x128xi32, #tpu.memory_space<vmem>>)
      tpu.yield
    }) : () -> ()
    "tpu.region"() ({
      %run_scoped3A = tpu.sem_alloc : memref<!tpu.dma_semaphore, #tpu.memory_space<semaphore_mem>>
      %dma_start3A_382 = arith.constant 0 : i32
      %dma_start3A_383 = tpu.memref_slice %arg4[%mul3A_4, %dma_start3A_382] : memref<128x128xi32, #tpu.memory_space<hbm>> -> memref<4x128xi32, #tpu.memory_space<hbm>>
      %dma_start3A_384 = arith.constant 0 : i32
      %dma_start3A_385 = tpu.memref_slice %arg4[%mul3A_4, %dma_start3A_384] : memref<128x128xi32, #tpu.memory_space<hbm>> -> memref<4x128xi32, #tpu.memory_space<hbm>>
      tpu.enqueue_dma source(%dma_start3A_385 : memref<4x128xi32, #tpu.memory_space<hbm>>) target(%arg10 : memref<4x128xi32, #tpu.memory_space<vmem>>) target_semaphore(%run_scoped3A : memref<!tpu.dma_semaphore, #tpu.memory_space<semaphore_mem>>)
      %dma_wait3A_386 = arith.constant 0 : i32
      %dma_wait3A_387 = tpu.memref_slice %arg4[%mul3A_4, %dma_wait3A_386] : memref<128x128xi32, #tpu.memory_space<hbm>> -> memref<4x128xi32, #tpu.memory_space<hbm>>
      %dma_wait3A_388 = arith.constant 0 : i32
      %dma_wait3A_389 = tpu.memref_slice %arg4[%mul3A_4, %dma_wait3A_388] : memref<128x128xi32, #tpu.memory_space<hbm>> -> memref<4x128xi32, #tpu.memory_space<hbm>>
      tpu.wait_dma2 semaphore(%run_scoped3A : memref<!tpu.dma_semaphore, #tpu.memory_space<semaphore_mem>>) src(%dma_wait3A_389 : memref<4x128xi32, #tpu.memory_space<hbm>>) dst(%arg10 : memref<4x128xi32, #tpu.memory_space<vmem>>)
      tpu.yield
    }) : () -> ()
    "tpu.region"() ({
      %run_scoped3A = tpu.sem_alloc : memref<!tpu.dma_semaphore, #tpu.memory_space<semaphore_mem>>
      %dma_start3A_382 = tpu.memref_slice %arg5[%mul3A_2] : memref<16384xf32, #tpu.memory_space<hbm>> -> memref<512xf32, #tpu.memory_space<hbm>>
      %dma_start3A_383 = tpu.memref_slice %arg5[%mul3A_2] : memref<16384xf32, #tpu.memory_space<hbm>> -> memref<512xf32, #tpu.memory_space<hbm>>
      tpu.enqueue_dma source(%dma_start3A_383 : memref<512xf32, #tpu.memory_space<hbm>>) target(%arg11 : memref<512xf32, #tpu.memory_space<vmem>>) target_semaphore(%run_scoped3A : memref<!tpu.dma_semaphore, #tpu.memory_space<semaphore_mem>>)
      %dma_wait3A_384 = tpu.memref_slice %arg5[%mul3A_2] : memref<16384xf32, #tpu.memory_space<hbm>> -> memref<512xf32, #tpu.memory_space<hbm>>
      %dma_wait3A_385 = tpu.memref_slice %arg5[%mul3A_2] : memref<16384xf32, #tpu.memory_space<hbm>> -> memref<512xf32, #tpu.memory_space<hbm>>
      tpu.wait_dma2 semaphore(%run_scoped3A : memref<!tpu.dma_semaphore, #tpu.memory_space<semaphore_mem>>) src(%dma_wait3A_385 : memref<512xf32, #tpu.memory_space<hbm>>) dst(%arg11 : memref<512xf32, #tpu.memory_space<vmem>>)
      tpu.yield
    }) : () -> ()
    %iota3A = tpu.iota {dimensions = array<i32: 0>} : vector<16xi32>
    %broadcast_in_dim3A = arith.constant 96 : i32
    %broadcast_in_dim3A_5 = vector.broadcast %broadcast_in_dim3A : i32 to vector<16xi32>
    %dma_start3A = arith.constant 0 : i32
    %dma_start3A_6 = arith.constant 0 : i32
    %dma_start3A_7 = tpu.memref_slice %arg8[%dma_start3A, %dma_start3A_6] : memref<4x128xi32, #tpu.memory_space<vmem>> -> memref<1x128xi32, #tpu.memory_space<vmem>>
    %dma_start3A_8 = tpu.memref_squeeze %dma_start3A_7 : memref<1x128xi32, #tpu.memory_space<vmem>> -> memref<128xi32, #tpu.memory_space<vmem>>
    %dma_start3A_9 = arith.constant 0 : i32
    %dma_start3A_10 = arith.constant 0 : i32
    %dma_start3A_11 = tpu.memref_slice %arg6[%dma_start3A_9, %dma_start3A_10] : memref<100000x128xf32, #tpu.memory_space<hbm>> -> memref<100000x128xf32, #tpu.memory_space<hbm>>
    tpu.enqueue_indirect_dma source(%dma_start3A_11 : memref<100000x128xf32, #tpu.memory_space<hbm>>) target(%arg12 : memref<128x128xf32, #tpu.memory_space<vmem>>) offsets(%dma_start3A_8 : memref<128xi32, #tpu.memory_space<vmem>>) semaphore(%arg19 : memref<!tpu.dma_semaphore, #tpu.memory_space<semaphore_mem>>)
    %dma_start3A_12 = arith.constant 0 : i32
    %dma_start3A_13 = arith.constant 0 : i32
    %dma_start3A_14 = tpu.memref_slice %arg9[%dma_start3A_12, %dma_start3A_13] : memref<4x128xi32, #tpu.memory_space<vmem>> -> memref<1x128xi32, #tpu.memory_space<vmem>>
    %dma_start3A_15 = tpu.memref_squeeze %dma_start3A_14 : memref<1x128xi32, #tpu.memory_space<vmem>> -> memref<128xi32, #tpu.memory_space<vmem>>
    %dma_start3A_16 = arith.constant 0 : i32
    %dma_start3A_17 = arith.constant 0 : i32
    %dma_start3A_18 = tpu.memref_slice %arg6[%dma_start3A_16, %dma_start3A_17] : memref<100000x128xf32, #tpu.memory_space<hbm>> -> memref<100000x128xf32, #tpu.memory_space<hbm>>
    tpu.enqueue_indirect_dma source(%dma_start3A_18 : memref<100000x128xf32, #tpu.memory_space<hbm>>) target(%arg13 : memref<128x128xf32, #tpu.memory_space<vmem>>) offsets(%dma_start3A_15 : memref<128xi32, #tpu.memory_space<vmem>>) semaphore(%arg19 : memref<!tpu.dma_semaphore, #tpu.memory_space<semaphore_mem>>)
    %dma_start3A_19 = arith.constant 0 : i32
    %dma_start3A_20 = arith.constant 0 : i32
    %dma_start3A_21 = tpu.memref_slice %arg10[%dma_start3A_19, %dma_start3A_20] : memref<4x128xi32, #tpu.memory_space<vmem>> -> memref<1x128xi32, #tpu.memory_space<vmem>>
    %dma_start3A_22 = tpu.memref_squeeze %dma_start3A_21 : memref<1x128xi32, #tpu.memory_space<vmem>> -> memref<128xi32, #tpu.memory_space<vmem>>
    %dma_start3A_23 = arith.constant 0 : i32
    %dma_start3A_24 = arith.constant 0 : i32
    %dma_start3A_25 = tpu.memref_slice %arg6[%dma_start3A_23, %dma_start3A_24] : memref<100000x128xf32, #tpu.memory_space<hbm>> -> memref<100000x128xf32, #tpu.memory_space<hbm>>
    tpu.enqueue_indirect_dma source(%dma_start3A_25 : memref<100000x128xf32, #tpu.memory_space<hbm>>) target(%arg14 : memref<128x128xf32, #tpu.memory_space<vmem>>) offsets(%dma_start3A_22 : memref<128xi32, #tpu.memory_space<vmem>>) semaphore(%arg19 : memref<!tpu.dma_semaphore, #tpu.memory_space<semaphore_mem>>)
    %dma_start3A_26 = arith.constant 1 : i32
    %dma_start3A_27 = arith.constant 0 : i32
    %dma_start3A_28 = tpu.memref_slice %arg8[%dma_start3A_26, %dma_start3A_27] : memref<4x128xi32, #tpu.memory_space<vmem>> -> memref<1x128xi32, #tpu.memory_space<vmem>>
    %dma_start3A_29 = tpu.memref_squeeze %dma_start3A_28 : memref<1x128xi32, #tpu.memory_space<vmem>> -> memref<128xi32, #tpu.memory_space<vmem>>
    %dma_start3A_30 = arith.constant 0 : i32
    %dma_start3A_31 = arith.constant 0 : i32
    %dma_start3A_32 = tpu.memref_slice %arg6[%dma_start3A_30, %dma_start3A_31] : memref<100000x128xf32, #tpu.memory_space<hbm>> -> memref<100000x128xf32, #tpu.memory_space<hbm>>
    tpu.enqueue_indirect_dma source(%dma_start3A_32 : memref<100000x128xf32, #tpu.memory_space<hbm>>) target(%arg15 : memref<128x128xf32, #tpu.memory_space<vmem>>) offsets(%dma_start3A_29 : memref<128xi32, #tpu.memory_space<vmem>>) semaphore(%arg20 : memref<!tpu.dma_semaphore, #tpu.memory_space<semaphore_mem>>)
    %dma_start3A_33 = arith.constant 1 : i32
    %dma_start3A_34 = arith.constant 0 : i32
    %dma_start3A_35 = tpu.memref_slice %arg9[%dma_start3A_33, %dma_start3A_34] : memref<4x128xi32, #tpu.memory_space<vmem>> -> memref<1x128xi32, #tpu.memory_space<vmem>>
    %dma_start3A_36 = tpu.memref_squeeze %dma_start3A_35 : memref<1x128xi32, #tpu.memory_space<vmem>> -> memref<128xi32, #tpu.memory_space<vmem>>
    %dma_start3A_37 = arith.constant 0 : i32
    %dma_start3A_38 = arith.constant 0 : i32
    %dma_start3A_39 = tpu.memref_slice %arg6[%dma_start3A_37, %dma_start3A_38] : memref<100000x128xf32, #tpu.memory_space<hbm>> -> memref<100000x128xf32, #tpu.memory_space<hbm>>
    tpu.enqueue_indirect_dma source(%dma_start3A_39 : memref<100000x128xf32, #tpu.memory_space<hbm>>) target(%arg16 : memref<128x128xf32, #tpu.memory_space<vmem>>) offsets(%dma_start3A_36 : memref<128xi32, #tpu.memory_space<vmem>>) semaphore(%arg20 : memref<!tpu.dma_semaphore, #tpu.memory_space<semaphore_mem>>)
    %dma_start3A_40 = arith.constant 1 : i32
    %dma_start3A_41 = arith.constant 0 : i32
    %dma_start3A_42 = tpu.memref_slice %arg10[%dma_start3A_40, %dma_start3A_41] : memref<4x128xi32, #tpu.memory_space<vmem>> -> memref<1x128xi32, #tpu.memory_space<vmem>>
    %dma_start3A_43 = tpu.memref_squeeze %dma_start3A_42 : memref<1x128xi32, #tpu.memory_space<vmem>> -> memref<128xi32, #tpu.memory_space<vmem>>
    %dma_start3A_44 = arith.constant 0 : i32
    %dma_start3A_45 = arith.constant 0 : i32
    %dma_start3A_46 = tpu.memref_slice %arg6[%dma_start3A_44, %dma_start3A_45] : memref<100000x128xf32, #tpu.memory_space<hbm>> -> memref<100000x128xf32, #tpu.memory_space<hbm>>
    tpu.enqueue_indirect_dma source(%dma_start3A_46 : memref<100000x128xf32, #tpu.memory_space<hbm>>) target(%arg17 : memref<128x128xf32, #tpu.memory_space<vmem>>) offsets(%dma_start3A_43 : memref<128xi32, #tpu.memory_space<vmem>>) semaphore(%arg20 : memref<!tpu.dma_semaphore, #tpu.memory_space<semaphore_mem>>)
    %dma_wait3A = arith.constant 0 : i32
    %dma_wait3A_47 = arith.constant 0 : i32
    %dma_wait3A_48 = tpu.memref_slice %arg8[%dma_wait3A, %dma_wait3A_47] : memref<4x128xi32, #tpu.memory_space<vmem>> -> memref<1x128xi32, #tpu.memory_space<vmem>>
    %dma_wait3A_49 = tpu.memref_squeeze %dma_wait3A_48 : memref<1x128xi32, #tpu.memory_space<vmem>> -> memref<128xi32, #tpu.memory_space<vmem>>
    %dma_wait3A_50 = arith.constant 0 : i32
    %dma_wait3A_51 = arith.constant 0 : i32
    %dma_wait3A_52 = tpu.memref_slice %arg6[%dma_wait3A_50, %dma_wait3A_51] : memref<100000x128xf32, #tpu.memory_space<hbm>> -> memref<100000x128xf32, #tpu.memory_space<hbm>>
    tpu.wait_indirect_dma semaphore(%arg19 : memref<!tpu.dma_semaphore, #tpu.memory_space<semaphore_mem>>) src(%dma_wait3A_52 : memref<100000x128xf32, #tpu.memory_space<hbm>>) dst(%arg12 : memref<128x128xf32, #tpu.memory_space<vmem>>)
    %dma_wait3A_53 = arith.constant 0 : i32
    %dma_wait3A_54 = arith.constant 0 : i32
    %dma_wait3A_55 = tpu.memref_slice %arg9[%dma_wait3A_53, %dma_wait3A_54] : memref<4x128xi32, #tpu.memory_space<vmem>> -> memref<1x128xi32, #tpu.memory_space<vmem>>
    %dma_wait3A_56 = tpu.memref_squeeze %dma_wait3A_55 : memref<1x128xi32, #tpu.memory_space<vmem>> -> memref<128xi32, #tpu.memory_space<vmem>>
    %dma_wait3A_57 = arith.constant 0 : i32
    %dma_wait3A_58 = arith.constant 0 : i32
    %dma_wait3A_59 = tpu.memref_slice %arg6[%dma_wait3A_57, %dma_wait3A_58] : memref<100000x128xf32, #tpu.memory_space<hbm>> -> memref<100000x128xf32, #tpu.memory_space<hbm>>
    tpu.wait_indirect_dma semaphore(%arg19 : memref<!tpu.dma_semaphore, #tpu.memory_space<semaphore_mem>>) src(%dma_wait3A_59 : memref<100000x128xf32, #tpu.memory_space<hbm>>) dst(%arg13 : memref<128x128xf32, #tpu.memory_space<vmem>>)
    %dma_wait3A_60 = arith.constant 0 : i32
    %dma_wait3A_61 = arith.constant 0 : i32
    %dma_wait3A_62 = tpu.memref_slice %arg10[%dma_wait3A_60, %dma_wait3A_61] : memref<4x128xi32, #tpu.memory_space<vmem>> -> memref<1x128xi32, #tpu.memory_space<vmem>>
    %dma_wait3A_63 = tpu.memref_squeeze %dma_wait3A_62 : memref<1x128xi32, #tpu.memory_space<vmem>> -> memref<128xi32, #tpu.memory_space<vmem>>
    %dma_wait3A_64 = arith.constant 0 : i32
    %dma_wait3A_65 = arith.constant 0 : i32
    %dma_wait3A_66 = tpu.memref_slice %arg6[%dma_wait3A_64, %dma_wait3A_65] : memref<100000x128xf32, #tpu.memory_space<hbm>> -> memref<100000x128xf32, #tpu.memory_space<hbm>>
    tpu.wait_indirect_dma semaphore(%arg19 : memref<!tpu.dma_semaphore, #tpu.memory_space<semaphore_mem>>) src(%dma_wait3A_66 : memref<100000x128xf32, #tpu.memory_space<hbm>>) dst(%arg14 : memref<128x128xf32, #tpu.memory_space<vmem>>)
    %parallel_loop3A = arith.constant 0 : i32
    %parallel_loop3A_67 = arith.constant 128 : i32
    %parallel_loop3A_68 = arith.constant 1 : i32
    scf.for %parallel_loop3A_382 = %parallel_loop3A to %parallel_loop3A_67 step %parallel_loop3A_68  : i32 {
      %parallel_loop3A_383 = arith.index_cast %parallel_loop3A_382 : i32 to index
      %parallel_loop3A_384 = arith.constant 0 : index
      %parallel_loop3A_385 = tpu.vector_load %arg12[%parallel_loop3A_383, %parallel_loop3A_384] {strides = array<i32>} : memref<128x128xf32, #tpu.memory_space<vmem>>, vector<16xf32>,
      %parallel_loop3A_386 = arith.index_cast %parallel_loop3A_382 : i32 to index
      %parallel_loop3A_387 = arith.constant 0 : index
      %parallel_loop3A_388 = tpu.vector_load %arg18[%parallel_loop3A_386, %parallel_loop3A_387] {strides = array<i32>} : memref<128x97xf32, #tpu.memory_space<vmem>>, vector<16xf32>,
      tpu.vector_store %arg18[%parallel_loop3A_386, %parallel_loop3A_387], %parallel_loop3A_385 {strides = array<i32>} : memref<128x97xf32, #tpu.memory_space<vmem>>, vector<16xf32>,
      %parallel_loop3A_389 = arith.index_cast %parallel_loop3A_382 : i32 to index
      %parallel_loop3A_390 = arith.constant 16 : index
      %parallel_loop3A_391 = tpu.vector_load %arg12[%parallel_loop3A_389, %parallel_loop3A_390] {strides = array<i32>} : memref<128x128xf32, #tpu.memory_space<vmem>>, vector<16xf32>,
      %parallel_loop3A_392 = arith.index_cast %parallel_loop3A_382 : i32 to index
      %parallel_loop3A_393 = arith.constant 16 : index
      %parallel_loop3A_394 = tpu.vector_load %arg18[%parallel_loop3A_392, %parallel_loop3A_393] {strides = array<i32>} : memref<128x97xf32, #tpu.memory_space<vmem>>, vector<16xf32>,
      tpu.vector_store %arg18[%parallel_loop3A_392, %parallel_loop3A_393], %parallel_loop3A_391 {strides = array<i32>} : memref<128x97xf32, #tpu.memory_space<vmem>>, vector<16xf32>,
      %parallel_loop3A_395 = arith.index_cast %parallel_loop3A_382 : i32 to index
      %parallel_loop3A_396 = arith.constant 32 : index
      %parallel_loop3A_397 = tpu.vector_load %arg13[%parallel_loop3A_395, %parallel_loop3A_396] {strides = array<i32>} : memref<128x128xf32, #tpu.memory_space<vmem>>, vector<16xf32>,
      %parallel_loop3A_398 = arith.index_cast %parallel_loop3A_382 : i32 to index
      %parallel_loop3A_399 = arith.constant 32 : index
      %parallel_loop3A_400 = tpu.vector_load %arg18[%parallel_loop3A_398, %parallel_loop3A_399] {strides = array<i32>} : memref<128x97xf32, #tpu.memory_space<vmem>>, vector<16xf32>,
      tpu.vector_store %arg18[%parallel_loop3A_398, %parallel_loop3A_399], %parallel_loop3A_397 {strides = array<i32>} : memref<128x97xf32, #tpu.memory_space<vmem>>, vector<16xf32>,
      %parallel_loop3A_401 = arith.index_cast %parallel_loop3A_382 : i32 to index
      %parallel_loop3A_402 = arith.constant 48 : index
      %parallel_loop3A_403 = tpu.vector_load %arg13[%parallel_loop3A_401, %parallel_loop3A_402] {strides = array<i32>} : memref<128x128xf32, #tpu.memory_space<vmem>>, vector<16xf32>,
      %parallel_loop3A_404 = arith.index_cast %parallel_loop3A_382 : i32 to index
      %parallel_loop3A_405 = arith.constant 48 : index
      %parallel_loop3A_406 = tpu.vector_load %arg18[%parallel_loop3A_404, %parallel_loop3A_405] {strides = array<i32>} : memref<128x97xf32, #tpu.memory_space<vmem>>, vector<16xf32>,
      tpu.vector_store %arg18[%parallel_loop3A_404, %parallel_loop3A_405], %parallel_loop3A_403 {strides = array<i32>} : memref<128x97xf32, #tpu.memory_space<vmem>>, vector<16xf32>,
      %parallel_loop3A_407 = arith.index_cast %parallel_loop3A_382 : i32 to index
      %parallel_loop3A_408 = arith.constant 64 : index
      %parallel_loop3A_409 = tpu.vector_load %arg14[%parallel_loop3A_407, %parallel_loop3A_408] {strides = array<i32>} : memref<128x128xf32, #tpu.memory_space<vmem>>, vector<16xf32>,
      %parallel_loop3A_410 = arith.index_cast %parallel_loop3A_382 : i32 to index
      %parallel_loop3A_411 = arith.constant 64 : index
      %parallel_loop3A_412 = tpu.vector_load %arg18[%parallel_loop3A_410, %parallel_loop3A_411] {strides = array<i32>} : memref<128x97xf32, #tpu.memory_space<vmem>>, vector<16xf32>,
      tpu.vector_store %arg18[%parallel_loop3A_410, %parallel_loop3A_411], %parallel_loop3A_409 {strides = array<i32>} : memref<128x97xf32, #tpu.memory_space<vmem>>, vector<16xf32>,
      %parallel_loop3A_413 = arith.index_cast %parallel_loop3A_382 : i32 to index
      %parallel_loop3A_414 = arith.constant 80 : index
      %parallel_loop3A_415 = tpu.vector_load %arg14[%parallel_loop3A_413, %parallel_loop3A_414] {strides = array<i32>} : memref<128x128xf32, #tpu.memory_space<vmem>>, vector<16xf32>,
      %parallel_loop3A_416 = arith.index_cast %parallel_loop3A_382 : i32 to index
      %parallel_loop3A_417 = arith.constant 80 : index
      %parallel_loop3A_418 = tpu.vector_load %arg18[%parallel_loop3A_416, %parallel_loop3A_417] {strides = array<i32>} : memref<128x97xf32, #tpu.memory_space<vmem>>, vector<16xf32>,
      tpu.vector_store %arg18[%parallel_loop3A_416, %parallel_loop3A_417], %parallel_loop3A_415 {strides = array<i32>} : memref<128x97xf32, #tpu.memory_space<vmem>>, vector<16xf32>,
    } {sc.loop_unroll_factor = 4 : i64, sc.parallel_access}
    %get3A = arith.constant 0 : index
    %get3A_69 = tpu.vector_load %arg11[%get3A] {strides = array<i32>} : memref<512xf32, #tpu.memory_space<vmem>>, vector<16xf32>,
    %add3A_70 = arith.constant 0 : i32
    %add3A_71 = vector.broadcast %add3A_70 : i32 to vector<16xi32>
    %add3A_72 = arith.addi %iota3A, %add3A_71 : vector<16xi32>
    tpu.vector_store_idx %arg18[%add3A_72, %broadcast_in_dim3A_5], %get3A_69 : memref<128x97xf32, #tpu.memory_space<vmem>>[vector<16xi32>, vector<16xi32>], vector<16xf32>,
    %get3A_73 = arith.constant 16 : index
    %get3A_74 = tpu.vector_load %arg11[%get3A_73] {strides = array<i32>} : memref<512xf32, #tpu.memory_space<vmem>>, vector<16xf32>,
    %add3A_75 = arith.constant 16 : i32
    %add3A_76 = vector.broadcast %add3A_75 : i32 to vector<16xi32>
    %add3A_77 = arith.addi %iota3A, %add3A_76 : vector<16xi32>
    tpu.vector_store_idx %arg18[%add3A_77, %broadcast_in_dim3A_5], %get3A_74 : memref<128x97xf32, #tpu.memory_space<vmem>>[vector<16xi32>, vector<16xi32>], vector<16xf32>,
    %get3A_78 = arith.constant 32 : index
    %get3A_79 = tpu.vector_load %arg11[%get3A_78] {strides = array<i32>} : memref<512xf32, #tpu.memory_space<vmem>>, vector<16xf32>,
    %add3A_80 = arith.constant 32 : i32
    %add3A_81 = vector.broadcast %add3A_80 : i32 to vector<16xi32>
    %add3A_82 = arith.addi %iota3A, %add3A_81 : vector<16xi32>
    tpu.vector_store_idx %arg18[%add3A_82, %broadcast_in_dim3A_5], %get3A_79 : memref<128x97xf32, #tpu.memory_space<vmem>>[vector<16xi32>, vector<16xi32>], vector<16xf32>,
    %get3A_83 = arith.constant 48 : index
    %get3A_84 = tpu.vector_load %arg11[%get3A_83] {strides = array<i32>} : memref<512xf32, #tpu.memory_space<vmem>>, vector<16xf32>,
    %add3A_85 = arith.constant 48 : i32
    %add3A_86 = vector.broadcast %add3A_85 : i32 to vector<16xi32>
    %add3A_87 = arith.addi %iota3A, %add3A_86 : vector<16xi32>
    tpu.vector_store_idx %arg18[%add3A_87, %broadcast_in_dim3A_5], %get3A_84 : memref<128x97xf32, #tpu.memory_space<vmem>>[vector<16xi32>, vector<16xi32>], vector<16xf32>,
    %get3A_88 = arith.constant 64 : index
    %get3A_89 = tpu.vector_load %arg11[%get3A_88] {strides = array<i32>} : memref<512xf32, #tpu.memory_space<vmem>>, vector<16xf32>,
    %add3A_90 = arith.constant 64 : i32
    %add3A_91 = vector.broadcast %add3A_90 : i32 to vector<16xi32>
    %add3A_92 = arith.addi %iota3A, %add3A_91 : vector<16xi32>
    tpu.vector_store_idx %arg18[%add3A_92, %broadcast_in_dim3A_5], %get3A_89 : memref<128x97xf32, #tpu.memory_space<vmem>>[vector<16xi32>, vector<16xi32>], vector<16xf32>,
    %get3A_93 = arith.constant 80 : index
    %get3A_94 = tpu.vector_load %arg11[%get3A_93] {strides = array<i32>} : memref<512xf32, #tpu.memory_space<vmem>>, vector<16xf32>,
    %add3A_95 = arith.constant 80 : i32
    %add3A_96 = vector.broadcast %add3A_95 : i32 to vector<16xi32>
    %add3A_97 = arith.addi %iota3A, %add3A_96 : vector<16xi32>
    tpu.vector_store_idx %arg18[%add3A_97, %broadcast_in_dim3A_5], %get3A_94 : memref<128x97xf32, #tpu.memory_space<vmem>>[vector<16xi32>, vector<16xi32>], vector<16xf32>,
    %get3A_98 = arith.constant 96 : index
    %get3A_99 = tpu.vector_load %arg11[%get3A_98] {strides = array<i32>} : memref<512xf32, #tpu.memory_space<vmem>>, vector<16xf32>,
    %add3A_100 = arith.constant 96 : i32
    %add3A_101 = vector.broadcast %add3A_100 : i32 to vector<16xi32>
    %add3A_102 = arith.addi %iota3A, %add3A_101 : vector<16xi32>
    tpu.vector_store_idx %arg18[%add3A_102, %broadcast_in_dim3A_5], %get3A_99 : memref<128x97xf32, #tpu.memory_space<vmem>>[vector<16xi32>, vector<16xi32>], vector<16xf32>,
    %get3A_103 = arith.constant 112 : index
    %get3A_104 = tpu.vector_load %arg11[%get3A_103] {strides = array<i32>} : memref<512xf32, #tpu.memory_space<vmem>>, vector<16xf32>,
    %add3A_105 = arith.constant 112 : i32
    %add3A_106 = vector.broadcast %add3A_105 : i32 to vector<16xi32>
    %add3A_107 = arith.addi %iota3A, %add3A_106 : vector<16xi32>
    tpu.vector_store_idx %arg18[%add3A_107, %broadcast_in_dim3A_5], %get3A_104 : memref<128x97xf32, #tpu.memory_space<vmem>>[vector<16xi32>, vector<16xi32>], vector<16xf32>,
    %add3A_108 = arith.constant 0 : i32
    %add3A_109 = arith.addi %mul3A_2, %add3A_108 : i32
    %dma_start3A_110 = arith.constant 0 : i32
    %dma_start3A_111 = tpu.memref_slice %arg7[%add3A_109, %dma_start3A_110] : memref<16384x97xf32, #tpu.memory_space<hbm>> -> memref<128x97xf32, #tpu.memory_space<hbm>>
    %dma_start3A_112 = arith.constant 0 : i32
    %dma_start3A_113 = tpu.memref_slice %arg7[%add3A_109, %dma_start3A_112] : memref<16384x97xf32, #tpu.memory_space<hbm>> -> memref<128x97xf32, #tpu.memory_space<hbm>>
    tpu.enqueue_dma source(%arg18 : memref<128x97xf32, #tpu.memory_space<vmem>>) target(%dma_start3A_113 : memref<128x97xf32, #tpu.memory_space<hbm>>) target_semaphore(%arg21 : memref<!tpu.dma_semaphore, #tpu.memory_space<semaphore_mem>>)
    %dma_start3A_114 = arith.constant 2 : i32
    %dma_start3A_115 = arith.constant 0 : i32
    %dma_start3A_116 = tpu.memref_slice %arg8[%dma_start3A_114, %dma_start3A_115] : memref<4x128xi32, #tpu.memory_space<vmem>> -> memref<1x128xi32, #tpu.memory_space<vmem>>
    %dma_start3A_117 = tpu.memref_squeeze %dma_start3A_116 : memref<1x128xi32, #tpu.memory_space<vmem>> -> memref<128xi32, #tpu.memory_space<vmem>>
    %dma_start3A_118 = arith.constant 0 : i32
    %dma_start3A_119 = arith.constant 0 : i32
    %dma_start3A_120 = tpu.memref_slice %arg6[%dma_start3A_118, %dma_start3A_119] : memref<100000x128xf32, #tpu.memory_space<hbm>> -> memref<100000x128xf32, #tpu.memory_space<hbm>>
    tpu.enqueue_indirect_dma source(%dma_start3A_120 : memref<100000x128xf32, #tpu.memory_space<hbm>>) target(%arg12 : memref<128x128xf32, #tpu.memory_space<vmem>>) offsets(%dma_start3A_117 : memref<128xi32, #tpu.memory_space<vmem>>) semaphore(%arg19 : memref<!tpu.dma_semaphore, #tpu.memory_space<semaphore_mem>>)
    %dma_start3A_121 = arith.constant 2 : i32
    %dma_start3A_122 = arith.constant 0 : i32
    %dma_start3A_123 = tpu.memref_slice %arg9[%dma_start3A_121, %dma_start3A_122] : memref<4x128xi32, #tpu.memory_space<vmem>> -> memref<1x128xi32, #tpu.memory_space<vmem>>
    %dma_start3A_124 = tpu.memref_squeeze %dma_start3A_123 : memref<1x128xi32, #tpu.memory_space<vmem>> -> memref<128xi32, #tpu.memory_space<vmem>>
    %dma_start3A_125 = arith.constant 0 : i32
    %dma_start3A_126 = arith.constant 0 : i32
    %dma_start3A_127 = tpu.memref_slice %arg6[%dma_start3A_125, %dma_start3A_126] : memref<100000x128xf32, #tpu.memory_space<hbm>> -> memref<100000x128xf32, #tpu.memory_space<hbm>>
    tpu.enqueue_indirect_dma source(%dma_start3A_127 : memref<100000x128xf32, #tpu.memory_space<hbm>>) target(%arg13 : memref<128x128xf32, #tpu.memory_space<vmem>>) offsets(%dma_start3A_124 : memref<128xi32, #tpu.memory_space<vmem>>) semaphore(%arg19 : memref<!tpu.dma_semaphore, #tpu.memory_space<semaphore_mem>>)
    %dma_start3A_128 = arith.constant 2 : i32
    %dma_start3A_129 = arith.constant 0 : i32
    %dma_start3A_130 = tpu.memref_slice %arg10[%dma_start3A_128, %dma_start3A_129] : memref<4x128xi32, #tpu.memory_space<vmem>> -> memref<1x128xi32, #tpu.memory_space<vmem>>
    %dma_start3A_131 = tpu.memref_squeeze %dma_start3A_130 : memref<1x128xi32, #tpu.memory_space<vmem>> -> memref<128xi32, #tpu.memory_space<vmem>>
    %dma_start3A_132 = arith.constant 0 : i32
    %dma_start3A_133 = arith.constant 0 : i32
    %dma_start3A_134 = tpu.memref_slice %arg6[%dma_start3A_132, %dma_start3A_133] : memref<100000x128xf32, #tpu.memory_space<hbm>> -> memref<100000x128xf32, #tpu.memory_space<hbm>>
    tpu.enqueue_indirect_dma source(%dma_start3A_134 : memref<100000x128xf32, #tpu.memory_space<hbm>>) target(%arg14 : memref<128x128xf32, #tpu.memory_space<vmem>>) offsets(%dma_start3A_131 : memref<128xi32, #tpu.memory_space<vmem>>) semaphore(%arg19 : memref<!tpu.dma_semaphore, #tpu.memory_space<semaphore_mem>>)
    %dma_wait3A_135 = arith.constant 1 : i32
    %dma_wait3A_136 = arith.constant 0 : i32
    %dma_wait3A_137 = tpu.memref_slice %arg8[%dma_wait3A_135, %dma_wait3A_136] : memref<4x128xi32, #tpu.memory_space<vmem>> -> memref<1x128xi32, #tpu.memory_space<vmem>>
    %dma_wait3A_138 = tpu.memref_squeeze %dma_wait3A_137 : memref<1x128xi32, #tpu.memory_space<vmem>> -> memref<128xi32, #tpu.memory_space<vmem>>
    %dma_wait3A_139 = arith.constant 0 : i32
    %dma_wait3A_140 = arith.constant 0 : i32
    %dma_wait3A_141 = tpu.memref_slice %arg6[%dma_wait3A_139, %dma_wait3A_140] : memref<100000x128xf32, #tpu.memory_space<hbm>> -> memref<100000x128xf32, #tpu.memory_space<hbm>>
    tpu.wait_indirect_dma semaphore(%arg20 : memref<!tpu.dma_semaphore, #tpu.memory_space<semaphore_mem>>) src(%dma_wait3A_141 : memref<100000x128xf32, #tpu.memory_space<hbm>>) dst(%arg15 : memref<128x128xf32, #tpu.memory_space<vmem>>)
    %dma_wait3A_142 = arith.constant 1 : i32
    %dma_wait3A_143 = arith.constant 0 : i32
    %dma_wait3A_144 = tpu.memref_slice %arg9[%dma_wait3A_142, %dma_wait3A_143] : memref<4x128xi32, #tpu.memory_space<vmem>> -> memref<1x128xi32, #tpu.memory_space<vmem>>
    %dma_wait3A_145 = tpu.memref_squeeze %dma_wait3A_144 : memref<1x128xi32, #tpu.memory_space<vmem>> -> memref<128xi32, #tpu.memory_space<vmem>>
    %dma_wait3A_146 = arith.constant 0 : i32
    %dma_wait3A_147 = arith.constant 0 : i32
    %dma_wait3A_148 = tpu.memref_slice %arg6[%dma_wait3A_146, %dma_wait3A_147] : memref<100000x128xf32, #tpu.memory_space<hbm>> -> memref<100000x128xf32, #tpu.memory_space<hbm>>
    tpu.wait_indirect_dma semaphore(%arg20 : memref<!tpu.dma_semaphore, #tpu.memory_space<semaphore_mem>>) src(%dma_wait3A_148 : memref<100000x128xf32, #tpu.memory_space<hbm>>) dst(%arg16 : memref<128x128xf32, #tpu.memory_space<vmem>>)
    %dma_wait3A_149 = arith.constant 1 : i32
    %dma_wait3A_150 = arith.constant 0 : i32
    %dma_wait3A_151 = tpu.memref_slice %arg10[%dma_wait3A_149, %dma_wait3A_150] : memref<4x128xi32, #tpu.memory_space<vmem>> -> memref<1x128xi32, #tpu.memory_space<vmem>>
    %dma_wait3A_152 = tpu.memref_squeeze %dma_wait3A_151 : memref<1x128xi32, #tpu.memory_space<vmem>> -> memref<128xi32, #tpu.memory_space<vmem>>
    %dma_wait3A_153 = arith.constant 0 : i32
    %dma_wait3A_154 = arith.constant 0 : i32
    %dma_wait3A_155 = tpu.memref_slice %arg6[%dma_wait3A_153, %dma_wait3A_154] : memref<100000x128xf32, #tpu.memory_space<hbm>> -> memref<100000x128xf32, #tpu.memory_space<hbm>>
    tpu.wait_indirect_dma semaphore(%arg20 : memref<!tpu.dma_semaphore, #tpu.memory_space<semaphore_mem>>) src(%dma_wait3A_155 : memref<100000x128xf32, #tpu.memory_space<hbm>>) dst(%arg17 : memref<128x128xf32, #tpu.memory_space<vmem>>)
    %dma_wait3A_156 = arith.constant 0 : i32
    %dma_wait3A_157 = tpu.memref_slice %arg7[%add3A_109, %dma_wait3A_156] : memref<16384x97xf32, #tpu.memory_space<hbm>> -> memref<128x97xf32, #tpu.memory_space<hbm>>
    %dma_wait3A_158 = arith.constant 0 : i32
    %dma_wait3A_159 = tpu.memref_slice %arg7[%add3A_109, %dma_wait3A_158] : memref<16384x97xf32, #tpu.memory_space<hbm>> -> memref<128x97xf32, #tpu.memory_space<hbm>>
    tpu.wait_dma2 semaphore(%arg21 : memref<!tpu.dma_semaphore, #tpu.memory_space<semaphore_mem>>) src(%arg18 : memref<128x97xf32, #tpu.memory_space<vmem>>) dst(%dma_wait3A_159 : memref<128x97xf32, #tpu.memory_space<hbm>>)
    %parallel_loop3A_160 = arith.constant 0 : i32
    %parallel_loop3A_161 = arith.constant 128 : i32
    %parallel_loop3A_162 = arith.constant 1 : i32
    scf.for %parallel_loop3A_382 = %parallel_loop3A_160 to %parallel_loop3A_161 step %parallel_loop3A_162  : i32 {
      %parallel_loop3A_383 = arith.index_cast %parallel_loop3A_382 : i32 to index
      %parallel_loop3A_384 = arith.constant 0 : index
      %parallel_loop3A_385 = tpu.vector_load %arg15[%parallel_loop3A_383, %parallel_loop3A_384] {strides = array<i32>} : memref<128x128xf32, #tpu.memory_space<vmem>>, vector<16xf32>,
      %parallel_loop3A_386 = arith.index_cast %parallel_loop3A_382 : i32 to index
      %parallel_loop3A_387 = arith.constant 0 : index
      %parallel_loop3A_388 = tpu.vector_load %arg18[%parallel_loop3A_386, %parallel_loop3A_387] {strides = array<i32>} : memref<128x97xf32, #tpu.memory_space<vmem>>, vector<16xf32>,
      tpu.vector_store %arg18[%parallel_loop3A_386, %parallel_loop3A_387], %parallel_loop3A_385 {strides = array<i32>} : memref<128x97xf32, #tpu.memory_space<vmem>>, vector<16xf32>,
      %parallel_loop3A_389 = arith.index_cast %parallel_loop3A_382 : i32 to index
      %parallel_loop3A_390 = arith.constant 16 : index
      %parallel_loop3A_391 = tpu.vector_load %arg15[%parallel_loop3A_389, %parallel_loop3A_390] {strides = array<i32>} : memref<128x128xf32, #tpu.memory_space<vmem>>, vector<16xf32>,
      %parallel_loop3A_392 = arith.index_cast %parallel_loop3A_382 : i32 to index
      %parallel_loop3A_393 = arith.constant 16 : index
      %parallel_loop3A_394 = tpu.vector_load %arg18[%parallel_loop3A_392, %parallel_loop3A_393] {strides = array<i32>} : memref<128x97xf32, #tpu.memory_space<vmem>>, vector<16xf32>,
      tpu.vector_store %arg18[%parallel_loop3A_392, %parallel_loop3A_393], %parallel_loop3A_391 {strides = array<i32>} : memref<128x97xf32, #tpu.memory_space<vmem>>, vector<16xf32>,
      %parallel_loop3A_395 = arith.index_cast %parallel_loop3A_382 : i32 to index
      %parallel_loop3A_396 = arith.constant 32 : index
      %parallel_loop3A_397 = tpu.vector_load %arg16[%parallel_loop3A_395, %parallel_loop3A_396] {strides = array<i32>} : memref<128x128xf32, #tpu.memory_space<vmem>>, vector<16xf32>,
      %parallel_loop3A_398 = arith.index_cast %parallel_loop3A_382 : i32 to index
      %parallel_loop3A_399 = arith.constant 32 : index
      %parallel_loop3A_400 = tpu.vector_load %arg18[%parallel_loop3A_398, %parallel_loop3A_399] {strides = array<i32>} : memref<128x97xf32, #tpu.memory_space<vmem>>, vector<16xf32>,
      tpu.vector_store %arg18[%parallel_loop3A_398, %parallel_loop3A_399], %parallel_loop3A_397 {strides = array<i32>} : memref<128x97xf32, #tpu.memory_space<vmem>>, vector<16xf32>,
      %parallel_loop3A_401 = arith.index_cast %parallel_loop3A_382 : i32 to index
      %parallel_loop3A_402 = arith.constant 48 : index
      %parallel_loop3A_403 = tpu.vector_load %arg16[%parallel_loop3A_401, %parallel_loop3A_402] {strides = array<i32>} : memref<128x128xf32, #tpu.memory_space<vmem>>, vector<16xf32>,
      %parallel_loop3A_404 = arith.index_cast %parallel_loop3A_382 : i32 to index
      %parallel_loop3A_405 = arith.constant 48 : index
      %parallel_loop3A_406 = tpu.vector_load %arg18[%parallel_loop3A_404, %parallel_loop3A_405] {strides = array<i32>} : memref<128x97xf32, #tpu.memory_space<vmem>>, vector<16xf32>,
      tpu.vector_store %arg18[%parallel_loop3A_404, %parallel_loop3A_405], %parallel_loop3A_403 {strides = array<i32>} : memref<128x97xf32, #tpu.memory_space<vmem>>, vector<16xf32>,
      %parallel_loop3A_407 = arith.index_cast %parallel_loop3A_382 : i32 to index
      %parallel_loop3A_408 = arith.constant 64 : index
      %parallel_loop3A_409 = tpu.vector_load %arg17[%parallel_loop3A_407, %parallel_loop3A_408] {strides = array<i32>} : memref<128x128xf32, #tpu.memory_space<vmem>>, vector<16xf32>,
      %parallel_loop3A_410 = arith.index_cast %parallel_loop3A_382 : i32 to index
      %parallel_loop3A_411 = arith.constant 64 : index
      %parallel_loop3A_412 = tpu.vector_load %arg18[%parallel_loop3A_410, %parallel_loop3A_411] {strides = array<i32>} : memref<128x97xf32, #tpu.memory_space<vmem>>, vector<16xf32>,
      tpu.vector_store %arg18[%parallel_loop3A_410, %parallel_loop3A_411], %parallel_loop3A_409 {strides = array<i32>} : memref<128x97xf32, #tpu.memory_space<vmem>>, vector<16xf32>,
      %parallel_loop3A_413 = arith.index_cast %parallel_loop3A_382 : i32 to index
      %parallel_loop3A_414 = arith.constant 80 : index
      %parallel_loop3A_415 = tpu.vector_load %arg17[%parallel_loop3A_413, %parallel_loop3A_414] {strides = array<i32>} : memref<128x128xf32, #tpu.memory_space<vmem>>, vector<16xf32>,
      %parallel_loop3A_416 = arith.index_cast %parallel_loop3A_382 : i32 to index
      %parallel_loop3A_417 = arith.constant 80 : index
      %parallel_loop3A_418 = tpu.vector_load %arg18[%parallel_loop3A_416, %parallel_loop3A_417] {strides = array<i32>} : memref<128x97xf32, #tpu.memory_space<vmem>>, vector<16xf32>,
      tpu.vector_store %arg18[%parallel_loop3A_416, %parallel_loop3A_417], %parallel_loop3A_415 {strides = array<i32>} : memref<128x97xf32, #tpu.memory_space<vmem>>, vector<16xf32>,
    } {sc.loop_unroll_factor = 4 : i64, sc.parallel_access}
    %get3A_163 = arith.constant 128 : index
    %get3A_164 = tpu.vector_load %arg11[%get3A_163] {strides = array<i32>} : memref<512xf32, #tpu.memory_space<vmem>>, vector<16xf32>,
    %add3A_165 = arith.constant 0 : i32
    %add3A_166 = vector.broadcast %add3A_165 : i32 to vector<16xi32>
    %add3A_167 = arith.addi %iota3A, %add3A_166 : vector<16xi32>
    tpu.vector_store_idx %arg18[%add3A_167, %broadcast_in_dim3A_5], %get3A_164 : memref<128x97xf32, #tpu.memory_space<vmem>>[vector<16xi32>, vector<16xi32>], vector<16xf32>,
    %get3A_168 = arith.constant 144 : index
    %get3A_169 = tpu.vector_load %arg11[%get3A_168] {strides = array<i32>} : memref<512xf32, #tpu.memory_space<vmem>>, vector<16xf32>,
    %add3A_170 = arith.constant 16 : i32
    %add3A_171 = vector.broadcast %add3A_170 : i32 to vector<16xi32>
    %add3A_172 = arith.addi %iota3A, %add3A_171 : vector<16xi32>
    tpu.vector_store_idx %arg18[%add3A_172, %broadcast_in_dim3A_5], %get3A_169 : memref<128x97xf32, #tpu.memory_space<vmem>>[vector<16xi32>, vector<16xi32>], vector<16xf32>,
    %get3A_173 = arith.constant 160 : index
    %get3A_174 = tpu.vector_load %arg11[%get3A_173] {strides = array<i32>} : memref<512xf32, #tpu.memory_space<vmem>>, vector<16xf32>,
    %add3A_175 = arith.constant 32 : i32
    %add3A_176 = vector.broadcast %add3A_175 : i32 to vector<16xi32>
    %add3A_177 = arith.addi %iota3A, %add3A_176 : vector<16xi32>
    tpu.vector_store_idx %arg18[%add3A_177, %broadcast_in_dim3A_5], %get3A_174 : memref<128x97xf32, #tpu.memory_space<vmem>>[vector<16xi32>, vector<16xi32>], vector<16xf32>,
    %get3A_178 = arith.constant 176 : index
    %get3A_179 = tpu.vector_load %arg11[%get3A_178] {strides = array<i32>} : memref<512xf32, #tpu.memory_space<vmem>>, vector<16xf32>,
    %add3A_180 = arith.constant 48 : i32
    %add3A_181 = vector.broadcast %add3A_180 : i32 to vector<16xi32>
    %add3A_182 = arith.addi %iota3A, %add3A_181 : vector<16xi32>
    tpu.vector_store_idx %arg18[%add3A_182, %broadcast_in_dim3A_5], %get3A_179 : memref<128x97xf32, #tpu.memory_space<vmem>>[vector<16xi32>, vector<16xi32>], vector<16xf32>,
    %get3A_183 = arith.constant 192 : index
    %get3A_184 = tpu.vector_load %arg11[%get3A_183] {strides = array<i32>} : memref<512xf32, #tpu.memory_space<vmem>>, vector<16xf32>,
    %add3A_185 = arith.constant 64 : i32
    %add3A_186 = vector.broadcast %add3A_185 : i32 to vector<16xi32>
    %add3A_187 = arith.addi %iota3A, %add3A_186 : vector<16xi32>
    tpu.vector_store_idx %arg18[%add3A_187, %broadcast_in_dim3A_5], %get3A_184 : memref<128x97xf32, #tpu.memory_space<vmem>>[vector<16xi32>, vector<16xi32>], vector<16xf32>,
    %get3A_188 = arith.constant 208 : index
    %get3A_189 = tpu.vector_load %arg11[%get3A_188] {strides = array<i32>} : memref<512xf32, #tpu.memory_space<vmem>>, vector<16xf32>,
    %add3A_190 = arith.constant 80 : i32
    %add3A_191 = vector.broadcast %add3A_190 : i32 to vector<16xi32>
    %add3A_192 = arith.addi %iota3A, %add3A_191 : vector<16xi32>
    tpu.vector_store_idx %arg18[%add3A_192, %broadcast_in_dim3A_5], %get3A_189 : memref<128x97xf32, #tpu.memory_space<vmem>>[vector<16xi32>, vector<16xi32>], vector<16xf32>,
    %get3A_193 = arith.constant 224 : index
    %get3A_194 = tpu.vector_load %arg11[%get3A_193] {strides = array<i32>} : memref<512xf32, #tpu.memory_space<vmem>>, vector<16xf32>,
    %add3A_195 = arith.constant 96 : i32
    %add3A_196 = vector.broadcast %add3A_195 : i32 to vector<16xi32>
    %add3A_197 = arith.addi %iota3A, %add3A_196 : vector<16xi32>
    tpu.vector_store_idx %arg18[%add3A_197, %broadcast_in_dim3A_5], %get3A_194 : memref<128x97xf32, #tpu.memory_space<vmem>>[vector<16xi32>, vector<16xi32>], vector<16xf32>,
    %get3A_198 = arith.constant 240 : index
    %get3A_199 = tpu.vector_load %arg11[%get3A_198] {strides = array<i32>} : memref<512xf32, #tpu.memory_space<vmem>>, vector<16xf32>,
    %add3A_200 = arith.constant 112 : i32
    %add3A_201 = vector.broadcast %add3A_200 : i32 to vector<16xi32>
    %add3A_202 = arith.addi %iota3A, %add3A_201 : vector<16xi32>
    tpu.vector_store_idx %arg18[%add3A_202, %broadcast_in_dim3A_5], %get3A_199 : memref<128x97xf32, #tpu.memory_space<vmem>>[vector<16xi32>, vector<16xi32>], vector<16xf32>,
    %add3A_203 = arith.constant 128 : i32
    %add3A_204 = arith.addi %mul3A_2, %add3A_203 : i32
    %dma_start3A_205 = arith.constant 0 : i32
    %dma_start3A_206 = tpu.memref_slice %arg7[%add3A_204, %dma_start3A_205] : memref<16384x97xf32, #tpu.memory_space<hbm>> -> memref<128x97xf32, #tpu.memory_space<hbm>>
    %dma_start3A_207 = arith.constant 0 : i32
    %dma_start3A_208 = tpu.memref_slice %arg7[%add3A_204, %dma_start3A_207] : memref<16384x97xf32, #tpu.memory_space<hbm>> -> memref<128x97xf32, #tpu.memory_space<hbm>>
    tpu.enqueue_dma source(%arg18 : memref<128x97xf32, #tpu.memory_space<vmem>>) target(%dma_start3A_208 : memref<128x97xf32, #tpu.memory_space<hbm>>) target_semaphore(%arg21 : memref<!tpu.dma_semaphore, #tpu.memory_space<semaphore_mem>>)
    %dma_start3A_209 = arith.constant 3 : i32
    %dma_start3A_210 = arith.constant 0 : i32
    %dma_start3A_211 = tpu.memref_slice %arg8[%dma_start3A_209, %dma_start3A_210] : memref<4x128xi32, #tpu.memory_space<vmem>> -> memref<1x128xi32, #tpu.memory_space<vmem>>
    %dma_start3A_212 = tpu.memref_squeeze %dma_start3A_211 : memref<1x128xi32, #tpu.memory_space<vmem>> -> memref<128xi32, #tpu.memory_space<vmem>>
    %dma_start3A_213 = arith.constant 0 : i32
    %dma_start3A_214 = arith.constant 0 : i32
    %dma_start3A_215 = tpu.memref_slice %arg6[%dma_start3A_213, %dma_start3A_214] : memref<100000x128xf32, #tpu.memory_space<hbm>> -> memref<100000x128xf32, #tpu.memory_space<hbm>>
    tpu.enqueue_indirect_dma source(%dma_start3A_215 : memref<100000x128xf32, #tpu.memory_space<hbm>>) target(%arg15 : memref<128x128xf32, #tpu.memory_space<vmem>>) offsets(%dma_start3A_212 : memref<128xi32, #tpu.memory_space<vmem>>) semaphore(%arg20 : memref<!tpu.dma_semaphore, #tpu.memory_space<semaphore_mem>>)
    %dma_start3A_216 = arith.constant 3 : i32
    %dma_start3A_217 = arith.constant 0 : i32
    %dma_start3A_218 = tpu.memref_slice %arg9[%dma_start3A_216, %dma_start3A_217] : memref<4x128xi32, #tpu.memory_space<vmem>> -> memref<1x128xi32, #tpu.memory_space<vmem>>
    %dma_start3A_219 = tpu.memref_squeeze %dma_start3A_218 : memref<1x128xi32, #tpu.memory_space<vmem>> -> memref<128xi32, #tpu.memory_space<vmem>>
    %dma_start3A_220 = arith.constant 0 : i32
    %dma_start3A_221 = arith.constant 0 : i32
    %dma_start3A_222 = tpu.memref_slice %arg6[%dma_start3A_220, %dma_start3A_221] : memref<100000x128xf32, #tpu.memory_space<hbm>> -> memref<100000x128xf32, #tpu.memory_space<hbm>>
    tpu.enqueue_indirect_dma source(%dma_start3A_222 : memref<100000x128xf32, #tpu.memory_space<hbm>>) target(%arg16 : memref<128x128xf32, #tpu.memory_space<vmem>>) offsets(%dma_start3A_219 : memref<128xi32, #tpu.memory_space<vmem>>) semaphore(%arg20 : memref<!tpu.dma_semaphore, #tpu.memory_space<semaphore_mem>>)
    %dma_start3A_223 = arith.constant 3 : i32
    %dma_start3A_224 = arith.constant 0 : i32
    %dma_start3A_225 = tpu.memref_slice %arg10[%dma_start3A_223, %dma_start3A_224] : memref<4x128xi32, #tpu.memory_space<vmem>> -> memref<1x128xi32, #tpu.memory_space<vmem>>
    %dma_start3A_226 = tpu.memref_squeeze %dma_start3A_225 : memref<1x128xi32, #tpu.memory_space<vmem>> -> memref<128xi32, #tpu.memory_space<vmem>>
    %dma_start3A_227 = arith.constant 0 : i32
    %dma_start3A_228 = arith.constant 0 : i32
    %dma_start3A_229 = tpu.memref_slice %arg6[%dma_start3A_227, %dma_start3A_228] : memref<100000x128xf32, #tpu.memory_space<hbm>> -> memref<100000x128xf32, #tpu.memory_space<hbm>>
    tpu.enqueue_indirect_dma source(%dma_start3A_229 : memref<100000x128xf32, #tpu.memory_space<hbm>>) target(%arg17 : memref<128x128xf32, #tpu.memory_space<vmem>>) offsets(%dma_start3A_226 : memref<128xi32, #tpu.memory_space<vmem>>) semaphore(%arg20 : memref<!tpu.dma_semaphore, #tpu.memory_space<semaphore_mem>>)
    %dma_wait3A_230 = arith.constant 2 : i32
    %dma_wait3A_231 = arith.constant 0 : i32
    %dma_wait3A_232 = tpu.memref_slice %arg8[%dma_wait3A_230, %dma_wait3A_231] : memref<4x128xi32, #tpu.memory_space<vmem>> -> memref<1x128xi32, #tpu.memory_space<vmem>>
    %dma_wait3A_233 = tpu.memref_squeeze %dma_wait3A_232 : memref<1x128xi32, #tpu.memory_space<vmem>> -> memref<128xi32, #tpu.memory_space<vmem>>
    %dma_wait3A_234 = arith.constant 0 : i32
    %dma_wait3A_235 = arith.constant 0 : i32
    %dma_wait3A_236 = tpu.memref_slice %arg6[%dma_wait3A_234, %dma_wait3A_235] : memref<100000x128xf32, #tpu.memory_space<hbm>> -> memref<100000x128xf32, #tpu.memory_space<hbm>>
    tpu.wait_indirect_dma semaphore(%arg19 : memref<!tpu.dma_semaphore, #tpu.memory_space<semaphore_mem>>) src(%dma_wait3A_236 : memref<100000x128xf32, #tpu.memory_space<hbm>>) dst(%arg12 : memref<128x128xf32, #tpu.memory_space<vmem>>)
    %dma_wait3A_237 = arith.constant 2 : i32
    %dma_wait3A_238 = arith.constant 0 : i32
    %dma_wait3A_239 = tpu.memref_slice %arg9[%dma_wait3A_237, %dma_wait3A_238] : memref<4x128xi32, #tpu.memory_space<vmem>> -> memref<1x128xi32, #tpu.memory_space<vmem>>
    %dma_wait3A_240 = tpu.memref_squeeze %dma_wait3A_239 : memref<1x128xi32, #tpu.memory_space<vmem>> -> memref<128xi32, #tpu.memory_space<vmem>>
    %dma_wait3A_241 = arith.constant 0 : i32
    %dma_wait3A_242 = arith.constant 0 : i32
    %dma_wait3A_243 = tpu.memref_slice %arg6[%dma_wait3A_241, %dma_wait3A_242] : memref<100000x128xf32, #tpu.memory_space<hbm>> -> memref<100000x128xf32, #tpu.memory_space<hbm>>
    tpu.wait_indirect_dma semaphore(%arg19 : memref<!tpu.dma_semaphore, #tpu.memory_space<semaphore_mem>>) src(%dma_wait3A_243 : memref<100000x128xf32, #tpu.memory_space<hbm>>) dst(%arg13 : memref<128x128xf32, #tpu.memory_space<vmem>>)
    %dma_wait3A_244 = arith.constant 2 : i32
    %dma_wait3A_245 = arith.constant 0 : i32
    %dma_wait3A_246 = tpu.memref_slice %arg10[%dma_wait3A_244, %dma_wait3A_245] : memref<4x128xi32, #tpu.memory_space<vmem>> -> memref<1x128xi32, #tpu.memory_space<vmem>>
    %dma_wait3A_247 = tpu.memref_squeeze %dma_wait3A_246 : memref<1x128xi32, #tpu.memory_space<vmem>> -> memref<128xi32, #tpu.memory_space<vmem>>
    %dma_wait3A_248 = arith.constant 0 : i32
    %dma_wait3A_249 = arith.constant 0 : i32
    %dma_wait3A_250 = tpu.memref_slice %arg6[%dma_wait3A_248, %dma_wait3A_249] : memref<100000x128xf32, #tpu.memory_space<hbm>> -> memref<100000x128xf32, #tpu.memory_space<hbm>>
    tpu.wait_indirect_dma semaphore(%arg19 : memref<!tpu.dma_semaphore, #tpu.memory_space<semaphore_mem>>) src(%dma_wait3A_250 : memref<100000x128xf32, #tpu.memory_space<hbm>>) dst(%arg14 : memref<128x128xf32, #tpu.memory_space<vmem>>)
    %dma_wait3A_251 = arith.constant 0 : i32
    %dma_wait3A_252 = tpu.memref_slice %arg7[%add3A_204, %dma_wait3A_251] : memref<16384x97xf32, #tpu.memory_space<hbm>> -> memref<128x97xf32, #tpu.memory_space<hbm>>
    %dma_wait3A_253 = arith.constant 0 : i32
    %dma_wait3A_254 = tpu.memref_slice %arg7[%add3A_204, %dma_wait3A_253] : memref<16384x97xf32, #tpu.memory_space<hbm>> -> memref<128x97xf32, #tpu.memory_space<hbm>>
    tpu.wait_dma2 semaphore(%arg21 : memref<!tpu.dma_semaphore, #tpu.memory_space<semaphore_mem>>) src(%arg18 : memref<128x97xf32, #tpu.memory_space<vmem>>) dst(%dma_wait3A_254 : memref<128x97xf32, #tpu.memory_space<hbm>>)
    %parallel_loop3A_255 = arith.constant 0 : i32
    %parallel_loop3A_256 = arith.constant 128 : i32
    %parallel_loop3A_257 = arith.constant 1 : i32
    scf.for %parallel_loop3A_382 = %parallel_loop3A_255 to %parallel_loop3A_256 step %parallel_loop3A_257  : i32 {
      %parallel_loop3A_383 = arith.index_cast %parallel_loop3A_382 : i32 to index
      %parallel_loop3A_384 = arith.constant 0 : index
      %parallel_loop3A_385 = tpu.vector_load %arg12[%parallel_loop3A_383, %parallel_loop3A_384] {strides = array<i32>} : memref<128x128xf32, #tpu.memory_space<vmem>>, vector<16xf32>,
      %parallel_loop3A_386 = arith.index_cast %parallel_loop3A_382 : i32 to index
      %parallel_loop3A_387 = arith.constant 0 : index
      %parallel_loop3A_388 = tpu.vector_load %arg18[%parallel_loop3A_386, %parallel_loop3A_387] {strides = array<i32>} : memref<128x97xf32, #tpu.memory_space<vmem>>, vector<16xf32>,
      tpu.vector_store %arg18[%parallel_loop3A_386, %parallel_loop3A_387], %parallel_loop3A_385 {strides = array<i32>} : memref<128x97xf32, #tpu.memory_space<vmem>>, vector<16xf32>,
      %parallel_loop3A_389 = arith.index_cast %parallel_loop3A_382 : i32 to index
      %parallel_loop3A_390 = arith.constant 16 : index
      %parallel_loop3A_391 = tpu.vector_load %arg12[%parallel_loop3A_389, %parallel_loop3A_390] {strides = array<i32>} : memref<128x128xf32, #tpu.memory_space<vmem>>, vector<16xf32>,
      %parallel_loop3A_392 = arith.index_cast %parallel_loop3A_382 : i32 to index
      %parallel_loop3A_393 = arith.constant 16 : index
      %parallel_loop3A_394 = tpu.vector_load %arg18[%parallel_loop3A_392, %parallel_loop3A_393] {strides = array<i32>} : memref<128x97xf32, #tpu.memory_space<vmem>>, vector<16xf32>,
      tpu.vector_store %arg18[%parallel_loop3A_392, %parallel_loop3A_393], %parallel_loop3A_391 {strides = array<i32>} : memref<128x97xf32, #tpu.memory_space<vmem>>, vector<16xf32>,
      %parallel_loop3A_395 = arith.index_cast %parallel_loop3A_382 : i32 to index
      %parallel_loop3A_396 = arith.constant 32 : index
      %parallel_loop3A_397 = tpu.vector_load %arg13[%parallel_loop3A_395, %parallel_loop3A_396] {strides = array<i32>} : memref<128x128xf32, #tpu.memory_space<vmem>>, vector<16xf32>,
      %parallel_loop3A_398 = arith.index_cast %parallel_loop3A_382 : i32 to index
      %parallel_loop3A_399 = arith.constant 32 : index
      %parallel_loop3A_400 = tpu.vector_load %arg18[%parallel_loop3A_398, %parallel_loop3A_399] {strides = array<i32>} : memref<128x97xf32, #tpu.memory_space<vmem>>, vector<16xf32>,
      tpu.vector_store %arg18[%parallel_loop3A_398, %parallel_loop3A_399], %parallel_loop3A_397 {strides = array<i32>} : memref<128x97xf32, #tpu.memory_space<vmem>>, vector<16xf32>,
      %parallel_loop3A_401 = arith.index_cast %parallel_loop3A_382 : i32 to index
      %parallel_loop3A_402 = arith.constant 48 : index
      %parallel_loop3A_403 = tpu.vector_load %arg13[%parallel_loop3A_401, %parallel_loop3A_402] {strides = array<i32>} : memref<128x128xf32, #tpu.memory_space<vmem>>, vector<16xf32>,
      %parallel_loop3A_404 = arith.index_cast %parallel_loop3A_382 : i32 to index
      %parallel_loop3A_405 = arith.constant 48 : index
      %parallel_loop3A_406 = tpu.vector_load %arg18[%parallel_loop3A_404, %parallel_loop3A_405] {strides = array<i32>} : memref<128x97xf32, #tpu.memory_space<vmem>>, vector<16xf32>,
      tpu.vector_store %arg18[%parallel_loop3A_404, %parallel_loop3A_405], %parallel_loop3A_403 {strides = array<i32>} : memref<128x97xf32, #tpu.memory_space<vmem>>, vector<16xf32>,
      %parallel_loop3A_407 = arith.index_cast %parallel_loop3A_382 : i32 to index
      %parallel_loop3A_408 = arith.constant 64 : index
      %parallel_loop3A_409 = tpu.vector_load %arg14[%parallel_loop3A_407, %parallel_loop3A_408] {strides = array<i32>} : memref<128x128xf32, #tpu.memory_space<vmem>>, vector<16xf32>,
      %parallel_loop3A_410 = arith.index_cast %parallel_loop3A_382 : i32 to index
      %parallel_loop3A_411 = arith.constant 64 : index
      %parallel_loop3A_412 = tpu.vector_load %arg18[%parallel_loop3A_410, %parallel_loop3A_411] {strides = array<i32>} : memref<128x97xf32, #tpu.memory_space<vmem>>, vector<16xf32>,
      tpu.vector_store %arg18[%parallel_loop3A_410, %parallel_loop3A_411], %parallel_loop3A_409 {strides = array<i32>} : memref<128x97xf32, #tpu.memory_space<vmem>>, vector<16xf32>,
      %parallel_loop3A_413 = arith.index_cast %parallel_loop3A_382 : i32 to index
      %parallel_loop3A_414 = arith.constant 80 : index
      %parallel_loop3A_415 = tpu.vector_load %arg14[%parallel_loop3A_413, %parallel_loop3A_414] {strides = array<i32>} : memref<128x128xf32, #tpu.memory_space<vmem>>, vector<16xf32>,
      %parallel_loop3A_416 = arith.index_cast %parallel_loop3A_382 : i32 to index
      %parallel_loop3A_417 = arith.constant 80 : index
      %parallel_loop3A_418 = tpu.vector_load %arg18[%parallel_loop3A_416, %parallel_loop3A_417] {strides = array<i32>} : memref<128x97xf32, #tpu.memory_space<vmem>>, vector<16xf32>,
      tpu.vector_store %arg18[%parallel_loop3A_416, %parallel_loop3A_417], %parallel_loop3A_415 {strides = array<i32>} : memref<128x97xf32, #tpu.memory_space<vmem>>, vector<16xf32>,
    } {sc.loop_unroll_factor = 4 : i64, sc.parallel_access}
    %get3A_258 = arith.constant 256 : index
    %get3A_259 = tpu.vector_load %arg11[%get3A_258] {strides = array<i32>} : memref<512xf32, #tpu.memory_space<vmem>>, vector<16xf32>,
    %add3A_260 = arith.constant 0 : i32
    %add3A_261 = vector.broadcast %add3A_260 : i32 to vector<16xi32>
    %add3A_262 = arith.addi %iota3A, %add3A_261 : vector<16xi32>
    tpu.vector_store_idx %arg18[%add3A_262, %broadcast_in_dim3A_5], %get3A_259 : memref<128x97xf32, #tpu.memory_space<vmem>>[vector<16xi32>, vector<16xi32>], vector<16xf32>,
    %get3A_263 = arith.constant 272 : index
    %get3A_264 = tpu.vector_load %arg11[%get3A_263] {strides = array<i32>} : memref<512xf32, #tpu.memory_space<vmem>>, vector<16xf32>,
    %add3A_265 = arith.constant 16 : i32
    %add3A_266 = vector.broadcast %add3A_265 : i32 to vector<16xi32>
    %add3A_267 = arith.addi %iota3A, %add3A_266 : vector<16xi32>
    tpu.vector_store_idx %arg18[%add3A_267, %broadcast_in_dim3A_5], %get3A_264 : memref<128x97xf32, #tpu.memory_space<vmem>>[vector<16xi32>, vector<16xi32>], vector<16xf32>,
    %get3A_268 = arith.constant 288 : index
    %get3A_269 = tpu.vector_load %arg11[%get3A_268] {strides = array<i32>} : memref<512xf32, #tpu.memory_space<vmem>>, vector<16xf32>,
    %add3A_270 = arith.constant 32 : i32
    %add3A_271 = vector.broadcast %add3A_270 : i32 to vector<16xi32>
    %add3A_272 = arith.addi %iota3A, %add3A_271 : vector<16xi32>
    tpu.vector_store_idx %arg18[%add3A_272, %broadcast_in_dim3A_5], %get3A_269 : memref<128x97xf32, #tpu.memory_space<vmem>>[vector<16xi32>, vector<16xi32>], vector<16xf32>,
    %get3A_273 = arith.constant 304 : index
    %get3A_274 = tpu.vector_load %arg11[%get3A_273] {strides = array<i32>} : memref<512xf32, #tpu.memory_space<vmem>>, vector<16xf32>,
    %add3A_275 = arith.constant 48 : i32
    %add3A_276 = vector.broadcast %add3A_275 : i32 to vector<16xi32>
    %add3A_277 = arith.addi %iota3A, %add3A_276 : vector<16xi32>
    tpu.vector_store_idx %arg18[%add3A_277, %broadcast_in_dim3A_5], %get3A_274 : memref<128x97xf32, #tpu.memory_space<vmem>>[vector<16xi32>, vector<16xi32>], vector<16xf32>,
    %get3A_278 = arith.constant 320 : index
    %get3A_279 = tpu.vector_load %arg11[%get3A_278] {strides = array<i32>} : memref<512xf32, #tpu.memory_space<vmem>>, vector<16xf32>,
    %add3A_280 = arith.constant 64 : i32
    %add3A_281 = vector.broadcast %add3A_280 : i32 to vector<16xi32>
    %add3A_282 = arith.addi %iota3A, %add3A_281 : vector<16xi32>
    tpu.vector_store_idx %arg18[%add3A_282, %broadcast_in_dim3A_5], %get3A_279 : memref<128x97xf32, #tpu.memory_space<vmem>>[vector<16xi32>, vector<16xi32>], vector<16xf32>,
    %get3A_283 = arith.constant 336 : index
    %get3A_284 = tpu.vector_load %arg11[%get3A_283] {strides = array<i32>} : memref<512xf32, #tpu.memory_space<vmem>>, vector<16xf32>,
    %add3A_285 = arith.constant 80 : i32
    %add3A_286 = vector.broadcast %add3A_285 : i32 to vector<16xi32>
    %add3A_287 = arith.addi %iota3A, %add3A_286 : vector<16xi32>
    tpu.vector_store_idx %arg18[%add3A_287, %broadcast_in_dim3A_5], %get3A_284 : memref<128x97xf32, #tpu.memory_space<vmem>>[vector<16xi32>, vector<16xi32>], vector<16xf32>,
    %get3A_288 = arith.constant 352 : index
    %get3A_289 = tpu.vector_load %arg11[%get3A_288] {strides = array<i32>} : memref<512xf32, #tpu.memory_space<vmem>>, vector<16xf32>,
    %add3A_290 = arith.constant 96 : i32
    %add3A_291 = vector.broadcast %add3A_290 : i32 to vector<16xi32>
    %add3A_292 = arith.addi %iota3A, %add3A_291 : vector<16xi32>
    tpu.vector_store_idx %arg18[%add3A_292, %broadcast_in_dim3A_5], %get3A_289 : memref<128x97xf32, #tpu.memory_space<vmem>>[vector<16xi32>, vector<16xi32>], vector<16xf32>,
    %get3A_293 = arith.constant 368 : index
    %get3A_294 = tpu.vector_load %arg11[%get3A_293] {strides = array<i32>} : memref<512xf32, #tpu.memory_space<vmem>>, vector<16xf32>,
    %add3A_295 = arith.constant 112 : i32
    %add3A_296 = vector.broadcast %add3A_295 : i32 to vector<16xi32>
    %add3A_297 = arith.addi %iota3A, %add3A_296 : vector<16xi32>
    tpu.vector_store_idx %arg18[%add3A_297, %broadcast_in_dim3A_5], %get3A_294 : memref<128x97xf32, #tpu.memory_space<vmem>>[vector<16xi32>, vector<16xi32>], vector<16xf32>,
    %add3A_298 = arith.constant 256 : i32
    %add3A_299 = arith.addi %mul3A_2, %add3A_298 : i32
    %dma_start3A_300 = arith.constant 0 : i32
    %dma_start3A_301 = tpu.memref_slice %arg7[%add3A_299, %dma_start3A_300] : memref<16384x97xf32, #tpu.memory_space<hbm>> -> memref<128x97xf32, #tpu.memory_space<hbm>>
    %dma_start3A_302 = arith.constant 0 : i32
    %dma_start3A_303 = tpu.memref_slice %arg7[%add3A_299, %dma_start3A_302] : memref<16384x97xf32, #tpu.memory_space<hbm>> -> memref<128x97xf32, #tpu.memory_space<hbm>>
    tpu.enqueue_dma source(%arg18 : memref<128x97xf32, #tpu.memory_space<vmem>>) target(%dma_start3A_303 : memref<128x97xf32, #tpu.memory_space<hbm>>) target_semaphore(%arg21 : memref<!tpu.dma_semaphore, #tpu.memory_space<semaphore_mem>>)
    %dma_wait3A_304 = arith.constant 3 : i32
    %dma_wait3A_305 = arith.constant 0 : i32
    %dma_wait3A_306 = tpu.memref_slice %arg8[%dma_wait3A_304, %dma_wait3A_305] : memref<4x128xi32, #tpu.memory_space<vmem>> -> memref<1x128xi32, #tpu.memory_space<vmem>>
    %dma_wait3A_307 = tpu.memref_squeeze %dma_wait3A_306 : memref<1x128xi32, #tpu.memory_space<vmem>> -> memref<128xi32, #tpu.memory_space<vmem>>
    %dma_wait3A_308 = arith.constant 0 : i32
    %dma_wait3A_309 = arith.constant 0 : i32
    %dma_wait3A_310 = tpu.memref_slice %arg6[%dma_wait3A_308, %dma_wait3A_309] : memref<100000x128xf32, #tpu.memory_space<hbm>> -> memref<100000x128xf32, #tpu.memory_space<hbm>>
    tpu.wait_indirect_dma semaphore(%arg20 : memref<!tpu.dma_semaphore, #tpu.memory_space<semaphore_mem>>) src(%dma_wait3A_310 : memref<100000x128xf32, #tpu.memory_space<hbm>>) dst(%arg15 : memref<128x128xf32, #tpu.memory_space<vmem>>)
    %dma_wait3A_311 = arith.constant 3 : i32
    %dma_wait3A_312 = arith.constant 0 : i32
    %dma_wait3A_313 = tpu.memref_slice %arg9[%dma_wait3A_311, %dma_wait3A_312] : memref<4x128xi32, #tpu.memory_space<vmem>> -> memref<1x128xi32, #tpu.memory_space<vmem>>
    %dma_wait3A_314 = tpu.memref_squeeze %dma_wait3A_313 : memref<1x128xi32, #tpu.memory_space<vmem>> -> memref<128xi32, #tpu.memory_space<vmem>>
    %dma_wait3A_315 = arith.constant 0 : i32
    %dma_wait3A_316 = arith.constant 0 : i32
    %dma_wait3A_317 = tpu.memref_slice %arg6[%dma_wait3A_315, %dma_wait3A_316] : memref<100000x128xf32, #tpu.memory_space<hbm>> -> memref<100000x128xf32, #tpu.memory_space<hbm>>
    tpu.wait_indirect_dma semaphore(%arg20 : memref<!tpu.dma_semaphore, #tpu.memory_space<semaphore_mem>>) src(%dma_wait3A_317 : memref<100000x128xf32, #tpu.memory_space<hbm>>) dst(%arg16 : memref<128x128xf32, #tpu.memory_space<vmem>>)
    %dma_wait3A_318 = arith.constant 3 : i32
    %dma_wait3A_319 = arith.constant 0 : i32
    %dma_wait3A_320 = tpu.memref_slice %arg10[%dma_wait3A_318, %dma_wait3A_319] : memref<4x128xi32, #tpu.memory_space<vmem>> -> memref<1x128xi32, #tpu.memory_space<vmem>>
    %dma_wait3A_321 = tpu.memref_squeeze %dma_wait3A_320 : memref<1x128xi32, #tpu.memory_space<vmem>> -> memref<128xi32, #tpu.memory_space<vmem>>
    %dma_wait3A_322 = arith.constant 0 : i32
    %dma_wait3A_323 = arith.constant 0 : i32
    %dma_wait3A_324 = tpu.memref_slice %arg6[%dma_wait3A_322, %dma_wait3A_323] : memref<100000x128xf32, #tpu.memory_space<hbm>> -> memref<100000x128xf32, #tpu.memory_space<hbm>>
    tpu.wait_indirect_dma semaphore(%arg20 : memref<!tpu.dma_semaphore, #tpu.memory_space<semaphore_mem>>) src(%dma_wait3A_324 : memref<100000x128xf32, #tpu.memory_space<hbm>>) dst(%arg17 : memref<128x128xf32, #tpu.memory_space<vmem>>)
    %dma_wait3A_325 = arith.constant 0 : i32
    %dma_wait3A_326 = tpu.memref_slice %arg7[%add3A_299, %dma_wait3A_325] : memref<16384x97xf32, #tpu.memory_space<hbm>> -> memref<128x97xf32, #tpu.memory_space<hbm>>
    %dma_wait3A_327 = arith.constant 0 : i32
    %dma_wait3A_328 = tpu.memref_slice %arg7[%add3A_299, %dma_wait3A_327] : memref<16384x97xf32, #tpu.memory_space<hbm>> -> memref<128x97xf32, #tpu.memory_space<hbm>>
    tpu.wait_dma2 semaphore(%arg21 : memref<!tpu.dma_semaphore, #tpu.memory_space<semaphore_mem>>) src(%arg18 : memref<128x97xf32, #tpu.memory_space<vmem>>) dst(%dma_wait3A_328 : memref<128x97xf32, #tpu.memory_space<hbm>>)
    %parallel_loop3A_329 = arith.constant 0 : i32
    %parallel_loop3A_330 = arith.constant 128 : i32
    %parallel_loop3A_331 = arith.constant 1 : i32
    scf.for %parallel_loop3A_382 = %parallel_loop3A_329 to %parallel_loop3A_330 step %parallel_loop3A_331  : i32 {
      %parallel_loop3A_383 = arith.index_cast %parallel_loop3A_382 : i32 to index
      %parallel_loop3A_384 = arith.constant 0 : index
      %parallel_loop3A_385 = tpu.vector_load %arg15[%parallel_loop3A_383, %parallel_loop3A_384] {strides = array<i32>} : memref<128x128xf32, #tpu.memory_space<vmem>>, vector<16xf32>,
      %parallel_loop3A_386 = arith.index_cast %parallel_loop3A_382 : i32 to index
      %parallel_loop3A_387 = arith.constant 0 : index
      %parallel_loop3A_388 = tpu.vector_load %arg18[%parallel_loop3A_386, %parallel_loop3A_387] {strides = array<i32>} : memref<128x97xf32, #tpu.memory_space<vmem>>, vector<16xf32>,
      tpu.vector_store %arg18[%parallel_loop3A_386, %parallel_loop3A_387], %parallel_loop3A_385 {strides = array<i32>} : memref<128x97xf32, #tpu.memory_space<vmem>>, vector<16xf32>,
      %parallel_loop3A_389 = arith.index_cast %parallel_loop3A_382 : i32 to index
      %parallel_loop3A_390 = arith.constant 16 : index
      %parallel_loop3A_391 = tpu.vector_load %arg15[%parallel_loop3A_389, %parallel_loop3A_390] {strides = array<i32>} : memref<128x128xf32, #tpu.memory_space<vmem>>, vector<16xf32>,
      %parallel_loop3A_392 = arith.index_cast %parallel_loop3A_382 : i32 to index
      %parallel_loop3A_393 = arith.constant 16 : index
      %parallel_loop3A_394 = tpu.vector_load %arg18[%parallel_loop3A_392, %parallel_loop3A_393] {strides = array<i32>} : memref<128x97xf32, #tpu.memory_space<vmem>>, vector<16xf32>,
      tpu.vector_store %arg18[%parallel_loop3A_392, %parallel_loop3A_393], %parallel_loop3A_391 {strides = array<i32>} : memref<128x97xf32, #tpu.memory_space<vmem>>, vector<16xf32>,
      %parallel_loop3A_395 = arith.index_cast %parallel_loop3A_382 : i32 to index
      %parallel_loop3A_396 = arith.constant 32 : index
      %parallel_loop3A_397 = tpu.vector_load %arg16[%parallel_loop3A_395, %parallel_loop3A_396] {strides = array<i32>} : memref<128x128xf32, #tpu.memory_space<vmem>>, vector<16xf32>,
      %parallel_loop3A_398 = arith.index_cast %parallel_loop3A_382 : i32 to index
      %parallel_loop3A_399 = arith.constant 32 : index
      %parallel_loop3A_400 = tpu.vector_load %arg18[%parallel_loop3A_398, %parallel_loop3A_399] {strides = array<i32>} : memref<128x97xf32, #tpu.memory_space<vmem>>, vector<16xf32>,
      tpu.vector_store %arg18[%parallel_loop3A_398, %parallel_loop3A_399], %parallel_loop3A_397 {strides = array<i32>} : memref<128x97xf32, #tpu.memory_space<vmem>>, vector<16xf32>,
      %parallel_loop3A_401 = arith.index_cast %parallel_loop3A_382 : i32 to index
      %parallel_loop3A_402 = arith.constant 48 : index
      %parallel_loop3A_403 = tpu.vector_load %arg16[%parallel_loop3A_401, %parallel_loop3A_402] {strides = array<i32>} : memref<128x128xf32, #tpu.memory_space<vmem>>, vector<16xf32>,
      %parallel_loop3A_404 = arith.index_cast %parallel_loop3A_382 : i32 to index
      %parallel_loop3A_405 = arith.constant 48 : index
      %parallel_loop3A_406 = tpu.vector_load %arg18[%parallel_loop3A_404, %parallel_loop3A_405] {strides = array<i32>} : memref<128x97xf32, #tpu.memory_space<vmem>>, vector<16xf32>,
      tpu.vector_store %arg18[%parallel_loop3A_404, %parallel_loop3A_405], %parallel_loop3A_403 {strides = array<i32>} : memref<128x97xf32, #tpu.memory_space<vmem>>, vector<16xf32>,
      %parallel_loop3A_407 = arith.index_cast %parallel_loop3A_382 : i32 to index
      %parallel_loop3A_408 = arith.constant 64 : index
      %parallel_loop3A_409 = tpu.vector_load %arg17[%parallel_loop3A_407, %parallel_loop3A_408] {strides = array<i32>} : memref<128x128xf32, #tpu.memory_space<vmem>>, vector<16xf32>,
      %parallel_loop3A_410 = arith.index_cast %parallel_loop3A_382 : i32 to index
      %parallel_loop3A_411 = arith.constant 64 : index
      %parallel_loop3A_412 = tpu.vector_load %arg18[%parallel_loop3A_410, %parallel_loop3A_411] {strides = array<i32>} : memref<128x97xf32, #tpu.memory_space<vmem>>, vector<16xf32>,
      tpu.vector_store %arg18[%parallel_loop3A_410, %parallel_loop3A_411], %parallel_loop3A_409 {strides = array<i32>} : memref<128x97xf32, #tpu.memory_space<vmem>>, vector<16xf32>,
      %parallel_loop3A_413 = arith.index_cast %parallel_loop3A_382 : i32 to index
      %parallel_loop3A_414 = arith.constant 80 : index
      %parallel_loop3A_415 = tpu.vector_load %arg17[%parallel_loop3A_413, %parallel_loop3A_414] {strides = array<i32>} : memref<128x128xf32, #tpu.memory_space<vmem>>, vector<16xf32>,
      %parallel_loop3A_416 = arith.index_cast %parallel_loop3A_382 : i32 to index
      %parallel_loop3A_417 = arith.constant 80 : index
      %parallel_loop3A_418 = tpu.vector_load %arg18[%parallel_loop3A_416, %parallel_loop3A_417] {strides = array<i32>} : memref<128x97xf32, #tpu.memory_space<vmem>>, vector<16xf32>,
      tpu.vector_store %arg18[%parallel_loop3A_416, %parallel_loop3A_417], %parallel_loop3A_415 {strides = array<i32>} : memref<128x97xf32, #tpu.memory_space<vmem>>, vector<16xf32>,
    } {sc.loop_unroll_factor = 4 : i64, sc.parallel_access}
    %get3A_332 = arith.constant 384 : index
    %get3A_333 = tpu.vector_load %arg11[%get3A_332] {strides = array<i32>} : memref<512xf32, #tpu.memory_space<vmem>>, vector<16xf32>,
    %add3A_334 = arith.constant 0 : i32
    %add3A_335 = vector.broadcast %add3A_334 : i32 to vector<16xi32>
    %add3A_336 = arith.addi %iota3A, %add3A_335 : vector<16xi32>
    tpu.vector_store_idx %arg18[%add3A_336, %broadcast_in_dim3A_5], %get3A_333 : memref<128x97xf32, #tpu.memory_space<vmem>>[vector<16xi32>, vector<16xi32>], vector<16xf32>,
    %get3A_337 = arith.constant 400 : index
    %get3A_338 = tpu.vector_load %arg11[%get3A_337] {strides = array<i32>} : memref<512xf32, #tpu.memory_space<vmem>>, vector<16xf32>,
    %add3A_339 = arith.constant 16 : i32
    %add3A_340 = vector.broadcast %add3A_339 : i32 to vector<16xi32>
    %add3A_341 = arith.addi %iota3A, %add3A_340 : vector<16xi32>
    tpu.vector_store_idx %arg18[%add3A_341, %broadcast_in_dim3A_5], %get3A_338 : memref<128x97xf32, #tpu.memory_space<vmem>>[vector<16xi32>, vector<16xi32>], vector<16xf32>,
    %get3A_342 = arith.constant 416 : index
    %get3A_343 = tpu.vector_load %arg11[%get3A_342] {strides = array<i32>} : memref<512xf32, #tpu.memory_space<vmem>>, vector<16xf32>,
    %add3A_344 = arith.constant 32 : i32
    %add3A_345 = vector.broadcast %add3A_344 : i32 to vector<16xi32>
    %add3A_346 = arith.addi %iota3A, %add3A_345 : vector<16xi32>
    tpu.vector_store_idx %arg18[%add3A_346, %broadcast_in_dim3A_5], %get3A_343 : memref<128x97xf32, #tpu.memory_space<vmem>>[vector<16xi32>, vector<16xi32>], vector<16xf32>,
    %get3A_347 = arith.constant 432 : index
    %get3A_348 = tpu.vector_load %arg11[%get3A_347] {strides = array<i32>} : memref<512xf32, #tpu.memory_space<vmem>>, vector<16xf32>,
    %add3A_349 = arith.constant 48 : i32
    %add3A_350 = vector.broadcast %add3A_349 : i32 to vector<16xi32>
    %add3A_351 = arith.addi %iota3A, %add3A_350 : vector<16xi32>
    tpu.vector_store_idx %arg18[%add3A_351, %broadcast_in_dim3A_5], %get3A_348 : memref<128x97xf32, #tpu.memory_space<vmem>>[vector<16xi32>, vector<16xi32>], vector<16xf32>,
    %get3A_352 = arith.constant 448 : index
    %get3A_353 = tpu.vector_load %arg11[%get3A_352] {strides = array<i32>} : memref<512xf32, #tpu.memory_space<vmem>>, vector<16xf32>,
    %add3A_354 = arith.constant 64 : i32
    %add3A_355 = vector.broadcast %add3A_354 : i32 to vector<16xi32>
    %add3A_356 = arith.addi %iota3A, %add3A_355 : vector<16xi32>
    tpu.vector_store_idx %arg18[%add3A_356, %broadcast_in_dim3A_5], %get3A_353 : memref<128x97xf32, #tpu.memory_space<vmem>>[vector<16xi32>, vector<16xi32>], vector<16xf32>,
    %get3A_357 = arith.constant 464 : index
    %get3A_358 = tpu.vector_load %arg11[%get3A_357] {strides = array<i32>} : memref<512xf32, #tpu.memory_space<vmem>>, vector<16xf32>,
    %add3A_359 = arith.constant 80 : i32
    %add3A_360 = vector.broadcast %add3A_359 : i32 to vector<16xi32>
    %add3A_361 = arith.addi %iota3A, %add3A_360 : vector<16xi32>
    tpu.vector_store_idx %arg18[%add3A_361, %broadcast_in_dim3A_5], %get3A_358 : memref<128x97xf32, #tpu.memory_space<vmem>>[vector<16xi32>, vector<16xi32>], vector<16xf32>,
    %get3A_362 = arith.constant 480 : index
    %get3A_363 = tpu.vector_load %arg11[%get3A_362] {strides = array<i32>} : memref<512xf32, #tpu.memory_space<vmem>>, vector<16xf32>,
    %add3A_364 = arith.constant 96 : i32
    %add3A_365 = vector.broadcast %add3A_364 : i32 to vector<16xi32>
    %add3A_366 = arith.addi %iota3A, %add3A_365 : vector<16xi32>
    tpu.vector_store_idx %arg18[%add3A_366, %broadcast_in_dim3A_5], %get3A_363 : memref<128x97xf32, #tpu.memory_space<vmem>>[vector<16xi32>, vector<16xi32>], vector<16xf32>,
    %get3A_367 = arith.constant 496 : index
    %get3A_368 = tpu.vector_load %arg11[%get3A_367] {strides = array<i32>} : memref<512xf32, #tpu.memory_space<vmem>>, vector<16xf32>,
    %add3A_369 = arith.constant 112 : i32
    %add3A_370 = vector.broadcast %add3A_369 : i32 to vector<16xi32>
    %add3A_371 = arith.addi %iota3A, %add3A_370 : vector<16xi32>
    tpu.vector_store_idx %arg18[%add3A_371, %broadcast_in_dim3A_5], %get3A_368 : memref<128x97xf32, #tpu.memory_space<vmem>>[vector<16xi32>, vector<16xi32>], vector<16xf32>,
    %add3A_372 = arith.constant 384 : i32
    %add3A_373 = arith.addi %mul3A_2, %add3A_372 : i32
    %dma_start3A_374 = arith.constant 0 : i32
    %dma_start3A_375 = tpu.memref_slice %arg7[%add3A_373, %dma_start3A_374] : memref<16384x97xf32, #tpu.memory_space<hbm>> -> memref<128x97xf32, #tpu.memory_space<hbm>>
    %dma_start3A_376 = arith.constant 0 : i32
    %dma_start3A_377 = tpu.memref_slice %arg7[%add3A_373, %dma_start3A_376] : memref<16384x97xf32, #tpu.memory_space<hbm>> -> memref<128x97xf32, #tpu.memory_space<hbm>>
    tpu.enqueue_dma source(%arg18 : memref<128x97xf32, #tpu.memory_space<vmem>>) target(%dma_start3A_377 : memref<128x97xf32, #tpu.memory_space<hbm>>) target_semaphore(%arg21 : memref<!tpu.dma_semaphore, #tpu.memory_space<semaphore_mem>>)
    %dma_wait3A_378 = arith.constant 0 : i32
    %dma_wait3A_379 = tpu.memref_slice %arg7[%add3A_373, %dma_wait3A_378] : memref<16384x97xf32, #tpu.memory_space<hbm>> -> memref<128x97xf32, #tpu.memory_space<hbm>>
    %dma_wait3A_380 = arith.constant 0 : i32
    %dma_wait3A_381 = tpu.memref_slice %arg7[%add3A_373, %dma_wait3A_380] : memref<16384x97xf32, #tpu.memory_space<hbm>> -> memref<128x97xf32, #tpu.memory_space<hbm>>
    tpu.wait_dma2 semaphore(%arg21 : memref<!tpu.dma_semaphore, #tpu.memory_space<semaphore_mem>>) src(%arg18 : memref<128x97xf32, #tpu.memory_space<vmem>>) dst(%dma_wait3A_381 : memref<128x97xf32, #tpu.memory_space<hbm>>)
    return
  }
}

</mosaic_0001>

<sc_bundles>
// kernel: kernel.3.cloned.1.call-start
scs
__scs_entry_jumppad:
0x0: {  	(pc) =	sbr.rel $0x88, $3  }
0x1: {  	(tag) =	ssettag $0x0;
	lr =	simm.s32 $0x1  }
0x2: {  	[smem:$0x3F9D] =	sst lr;
	_ =	strace $0xD0000000  }
0x3: {  	_ = 	snop  }
0x4: {  	_ = 	snop  }
0x5: {  	_ = 	snop  }
0x6: {  	_ = 	snop  }
0x7: {  	_ = 	snop  }
__scs_overlays_trampoline_lowered:
0x8: {  	[smem:$0x3FAC] =	sst s0  }
0x9: {  	[smem:$0x3FAD] =	sst s1  }
0xa: {  	[smem:$0x3FAE] =	sst s2  }
0xb: {  	[smem:$0x3FAF] =	sst s3  }
0xc: {  	[smem:$0x3FB0] =	sst s4  }
0xd: {  	[smem:$0x3FB1] =	sst s5  }
0xe: {  	[smem:$0x3FB2] =	sst s6  }
0xf: {  	[smem:$0x3FB3] =	sst s7  }
0x10: {  	[smem:$0x3FB4] =	sst s8  }
0x11: {  	[smem:$0x3FB5] =	sst s9;
	s0 =	simm.s32 @!p0 $0x0  }
0x12: {  	s1 =	sld [smem:$0x3F9B];
	s0 =	simm.s32 @p0 $0x1  }
0x13: {  	[smem:$0x3FB6] =	sst s0;
	s0 =	simm.s32 @!p1 $0x0  }
0x14: {  	s2 =	sld [smem:$0x3F9A];
	s0 =	simm.s32 @p1 $0x1  }
0x15: {  	[smem:$0x3FB7] =	sst s0;
	s0 =	simm.s32 @!p2 $0x0  }
0x16: {  	s3 =	sld [smem:$0x3FDB];
	s0 =	simm.s32 @p2 $0x1  }
0x17: {  	s4 =	simm.s32 $0x1BF5;
	[smem:$0x3FB9] =	sst s0  }
0x18: {  	s0 =	sld [smem:$0x3F9C];
	_ =	swait.ge [sflag:s4], $0x0  }
0x19: {  	s7 =	sld [smem:$0x3F9D]  }
0x1a: {  	s8 =	sadd.s32 $0xFFFFE003, lr  }
0x1b: {  	s9 =	sadd.s32 $0xFFFFFEF7, lr;
	s5 =	simm.s32 $0xFFFFFFFF;
	p2 =	slt.u32 s8, $0xFFFFF086  }
0x1c: {  	p1 =	slt.u32 s9, $0xF7A;
	s5 =	simm.s32 @!p2 $0x0  }
0x1d: {  	s5 =	simm.s32 @p1 $0x1;
	p0 =	seq.s32 s7, s2  }
0x1e: {  	s7 =	smul.u32 @!p0 $0xF7A, s2;
	p2 =	seq.s32 @!p0 s5, $0x0  }
0x1f: {  	s9 =	smul.u32 $0xF7A, s1;
	s8 =	simm.s32 @!p0 $0x1BF5;
	p2 =	por !p2, p0  }
0x20: {  	[sflag:s8] =	ssyncset.s32 @!p0 $0xFFFFF086;
	s6 =	sadd.s32 @!p0 s3, s7;
	s7 =	simm.s32 @!p0 $0x108  }
0x21: {  	s3 =	sadd.s32 s3, s9;
	s6 =	sadd.s32 @!p0 $0x88, s6;
	s7 =	simm.s32 @p2 $0x1082  }
0x22: {  	[simem:s7], [sflag:s8] =	dma.local @!p0 [hbm:s6], $0xF7A  }
0x23: {  	s9 =	sor.u32 $0xD0000000, s2;
	s6 =	simm.s32 $0x108;
	_ =	swait.ge @!p0 [sflag:s8], $0x0  }
0x24: {  	s3 =	sadd.s32 $0x88, s3;
	s6 =	simm.s32 @!p1 $0x1082;
	[sflag:s4] =	ssyncset.s32 $0xFFFFF086  }
0x25: {  	[simem:s6], [sflag:s4] =	dma.local [hbm:s3], $0xF7A  }
0x26: {  	[smem:$0x3F9D] =	sst s1;
	(tag) =	ssettag s2;
	_ =	strace s9  }
0x27: {  	s1 =	sld [smem:$0x3FAD]  }
0x28: {  	s2 =	sld [smem:$0x3FAE]  }
0x29: {  	s4 =	sld [smem:$0x3FB0]  }
0x2a: {  	p0 =	seq.s32 s5, $0x0;
	s5 =	sld [smem:$0x3FB1]  }
0x2b: {  	s6 =	sld [smem:$0x3FB2]  }
0x2c: {  	s7 =	sld [smem:$0x3FB3]  }
0x2d: {  	s3 =	simm.s32 $0x108;
	s8 =	sld [smem:$0x3FB4]  }
0x2e: {  	s3 =	simm.s32 @!p0 $0x1082;
	s9 =	sld [smem:$0x3FB5]  }
0x2f: {  	lr =	sadd.s32 s0, s3;
	s0 =	sld [smem:$0x3FAC]  }
0x30: {  	s3 =	sld [smem:$0x3FAF]  }
0x31: {  	[smem:$0x3FB8] =	sst s10  }
0x32: {  	s10 =	sld [smem:$0x3FB6];
	_ =	sdelay $0x3  }
0x33: {  	p0 =	seq.s32 s10, $0x1;
	s10 =	sld [smem:$0x3FB8];
	_ =	sdelay $0x3  }
0x34: {  	[smem:$0x3FB8] =	sst s10  }
0x35: {  	s10 =	sld [smem:$0x3FB7];
	_ =	sdelay $0x3  }
0x36: {  	p1 =	seq.s32 s10, $0x1;
	s10 =	sld [smem:$0x3FB8];
	_ =	sdelay $0x3  }
0x37: {  	[smem:$0x3FB8] =	sst s10  }
0x38: {  	s10 =	sld [smem:$0x3FB9]  }
0x39: {  	_ = 	snop;
	(pc) =	sbr.ind lr, $3  }
0x3a: {  	_ = 	snop  }
0x3b: {  	_ = 	snop  }
0x3c: {  	p2 =	seq.s32 s10, $0x1;
	s10 =	sld [smem:$0x3FB8]  }
0x3d: {  	_ =	shalt  }
0x3e: {  	_ =	shalt  }
0x3f: {  	_ =	shalt  }
0x40: {  	_ =	shalt  }
0x41: {  	_ =	shalt  }
0x42: {  	_ =	shalt  }
0x43: {  	_ =	shalt  }
0x44: {  	_ =	shalt  }
0x45: {  	_ =	shalt  }
0x46: {  	_ =	shalt  }
0x47: {  	_ =	shalt  }
0x48: {  	_ =	shalt  }
0x49: {  	_ =	shalt  }
0x4a: {  	_ =	shalt  }
0x4b: {  	_ =	shalt  }
0x4c: {  	_ =	shalt  }
0x4d: {  	_ =	shalt  }
0x4e: {  	_ =	shalt  }
0x4f: {  	_ =	shalt  }
0x50: {  	_ =	shalt  }
0x51: {  	_ =	shalt  }
0x52: {  	_ =	shalt  }
0x53: {  	_ =	shalt  }
0x54: {  	_ =	shalt  }
0x55: {  	_ =	shalt  }
0x56: {  	_ =	shalt  }
0x57: {  	_ =	shalt  }
0x58: {  	_ =	shalt  }
0x59: {  	_ =	shalt  }
0x5a: {  	_ =	shalt  }
0x5b: {  	_ =	shalt  }
0x5c: {  	_ =	shalt  }
0x5d: {  	_ =	shalt  }
0x5e: {  	_ =	shalt  }
0x5f: {  	_ =	shalt  }
0x60: {  	_ =	shalt  }
0x61: {  	_ =	shalt  }
0x62: {  	_ =	shalt  }
0x63: {  	_ =	shalt  }
0x64: {  	_ =	shalt  }
0x65: {  	_ =	shalt  }
0x66: {  	_ =	shalt  }
0x67: {  	_ =	shalt  }
0x68: {  	_ =	shalt  }
0x69: {  	_ =	shalt  }
0x6a: {  	_ =	shalt  }
0x6b: {  	_ =	shalt  }
0x6c: {  	_ =	shalt  }
0x6d: {  	_ =	shalt  }
0x6e: {  	_ =	shalt  }
0x6f: {  	_ =	shalt  }
0x70: {  	_ =	shalt  }
0x71: {  	_ =	shalt  }
0x72: {  	_ =	shalt  }
0x73: {  	_ =	shalt  }
0x74: {  	_ =	shalt  }
0x75: {  	_ =	shalt  }
0x76: {  	_ =	shalt  }
0x77: {  	_ =	shalt  }
0x78: {  	_ =	shalt  }
0x79: {  	_ =	shalt  }
0x7a: {  	_ =	shalt  }
0x7b: {  	_ =	shalt  }
0x7c: {  	_ =	shalt  }
0x7d: {  	_ =	shalt  }
0x7e: {  	_ =	shalt  }
0x7f: {  	_ =	shalt  }
0x80: {  	_ =	shalt  }
0x81: {  	_ =	shalt  }
0x82: {  	_ =	shalt  }
0x83: {  	_ =	shalt  }
0x84: {  	_ =	shalt  }
0x85: {  	_ =	shalt  }
0x86: {  	_ =	shalt  }
0x87: {  	_ =	shalt  }
.Lfunc_end0:
.L_simem_size_0:
called_computation_lowered:
.L_overlay_start_0:
0x88: {  	s2 =	sld [smem:$0x3FD9]  }
0x89: {  	s3 =	sld [smem:$0x3FFE];
	_ =	sdelay $0x1  }
0x8a: {  	s1 =	srdreg.scid  }
0x8b: {  	s0 =	sand.u32 $0x1, s1  }
0x8c: {  	s17 =	sshll.u32 s0, $0xA;
	s2 =	sadd.s32 s3, s2  }
0x8d: {  	s2 =	sadd.s32 s2, s17  }
0x8e: {  	[smem:$0x3FC4] =	sst s2  }
0x8f: {  	_ = 	snop  }
0x90: {  	s2 =	sld [smem:$0x3FD0];
	(tm) =	ssettm $0x1  }
0x91: {  	s18 =	sld [smem:$0x3FFB];
	_ =	sdelay $0x3  }
0x92: {  	_ =	strace s18  }
0x93: {  	s3 =	sld [smem:$0x3FFC];
	_ =	sdelay $0x3  }
0x94: {  	_ =	strace s3  }
0x95: {  	s3 =	sld [smem:$0x3FFD];
	_ =	sdelay $0x3  }
0x96: {  	_ =	strace s3  }
0x97: {  	_ =	strace $0x8FFFFFFF  }
0x98: {  	s19 =	sld [smem:$0x3FDB];
	_ =	sdelay $0x1  }
0x99: {  	s4 =	simm.s32 $_scs_section_size  }
0x9a: {  	s5 =	simm.s32 $_size__tile_overlayer_lowered;
	s6 =	simm.s32 $_tile_overlayer_lowered  }
0x9b: {  	s22 =	simm.s32 $0x1BFF;
	s21 =	sshll.u32 s6, $0x1;
	s3 =	sadd.s32 s4, s19  }
0x9c: {  	s7 =	simm.s32 $0x0;
	s20 =	sshll.u32 s5, $0x1;
	s5 =	sadd.s32 s21, s3  }
0x9d: {  	[timem:s7], [sflag:s22] =	dma.local [hbm:s5], s20  }
0x9e: {  	_ =	swait.ge [sflag:s22], s20  }
0x9f: {  	s4 =	ssub.s32 $0x0, s20;
	[sflag:s22] =	ssyncset.done $0x0  }
0xa0: {  	[sflag:s22] =	ssyncadd.s32 s4;
	_ =	sdelay $0x1  }
0xa1: {  	s23 =	simm.s32 $0x1B8B  }
0xa2: {  	_ =	swait.ge [sflag:s23], $0x1  }
0xa3: {  	[sflag:s23] =	ssyncset.done $0x0  }
0xa4: {  	s25 =	simm.s32 $0x1B8E;
	s24 =	sld [smem:$0x3FFE];
	[sflag:s23] =	ssyncadd.s32 $0xFFFFFFFF  }
0xa5: {  	s26 =	simm.s32 $execute0_lowered;
	[smem:$0x3FD2] =	sst s25  }
0xa6: {  	s5 =	sshll.u32 s26, $0x1;
	_ =	strace $0x80000046;
	[dreg:$0x1] =	wrdreg $0xFFFFFFFF  }
0xa7: {  	s28 =	simm.s32 $_size_execute0_lowered;
	s3 =	sadd.s32 s3, s5;
	[dreg:$0x0] =	wrdreg $0x0  }
0xa8: {  	s5 =	sshll.u32 s28, $0x1;
	[dreg:$0x2] =	wrdreg s3  }
0xa9: {  	[dreg:$0x3] =	wrdreg s5  }
0xaa: {  	[dreg:$0x4] =	wrdreg $0xC0  }
0xab: {  	_ =	task [dreg:s7], $0x5FFFF  }
0xac: {  	[dreg:$0x1] =	wrdreg $0xFFFFFFFF  }
0xad: {  	[dreg:$0x0] =	wrdreg $0x60  }
0xae: {  	[dreg:$0x2] =	wrdreg s24  }
0xaf: {  	[dreg:$0x3] =	wrdreg s2  }
0xb0: {  	[dreg:$0x4] =	wrdreg $0x9  }
0xb1: {  	_ =	task.clear_ibuf [dreg:s7], $0x5FFFF;
	_ =	strace $0x90000046  }
0xb2: {  	s29 =	simm.s32 $0x9;
	_ =	strace $0x80000048  }
0xb3: {  	_ =	swait.ge [sflag:s29], $0x1  }
0xb4: {  	[sflag:s29] =	ssyncadd.s32 $0xFFFFFFFF  }
0xb5: {  	_ =	strace $0x90000048  }
0xb6: {  	_ =	sfence  }
0xb7: {  	s30 =	sld [smem:$0x0];
	_ =	sdelay $0x2  }
0xb8: {  	s31 =	sshll.u32 s1, $0xD;
	s1 =	sshrl.u32 s1, $0x2  }
0xb9: {  	s3 =	sand.u32 $0x4000, s31;
	s1 =	sadd.s32 s1, s30  }
0xba: {  	s0 =	sor.u32 s3, s0;
	s1 =	sshll.u32 s1, $0x11  }
0xbb: {  	s0 =	sor.u32 s1, s0  }
0xbc: {  	s0 =	sadd.s32 $0x8F2B, s0  }
0xbd: {  	[sflag:s0] =	ssyncadd.remote.s32 $0x1  }
0xbe: {  	_ =	sfence.sel $0xFFFF  }
0xbf: {  	[dreg:$0x0] =	wrdreg $0xFFFFFFFF;
	(pc) =	sbr.abs _section_cstart, $3  }
0xc0: {  	[dreg:$0x1] =	wrdreg $0xFFFFFFFF  }
0xc1: {  	_ =	task.clear_ibuf [dreg:s7], $0x2FFFF;
	_ =	strace $0x9FFFFFFF  }
0xc2: {  	(tm) =	ssettm $0x7FFFFFFF  }
0xc3: {  	_ =	shalt  }
tec
execute0_lowered:
.L_overlay_start_1:
0x0: {  	(tag) =	ssettag $0x1  }
0x1: {  	s0 =	rddreg [dreg:$0x0]  }
0x2: {  	s1 =	rddreg [dreg:$0x1]  }
0x3: {  	s3 =	srdreg.scid;
	s2 =	simm.s32 $0x0;
	s6 =	stileid.u32  }
0x4: {  	s13 =	simm.s32 $0x4;
	s15 =	simm.s32 $0x400;
	s17 =	simm.s32 $0x80  }
0x5: {  	s18 =	simm.s32 $0x800;
	s19 =	simm.s32 $0x4800;
	s20 =	simm.s32 $0x8800  }
0x6: {  	s21 =	simm.s32 $0xC800;
	s23 =	simm.s32 $0x10800;
	s25 =	simm.s32 $0x14800  }
0x7: {  	s28 =	simm.s32 $0x18800;
	s29 =	simm.s32 $0x0;
	s3 =	sand.u32 $0x1, s3  }
0x8: {  	[smem:$0x7FF] =	sst s2;
	s4 =	sshll.u32 s6, $0x7;
	s26 =	sshll.u32 s6, $0x1  }
0x9: {  	s5 =	sshll.u32 s3, $0x6;
	_ =	strace $0x80000047;
	s7 =	sor.u32 s3, s26  }
0xa: {  	s31 =	ssub.s32 $0x2, s3;
	s3 =	sadd.s32 $0x497C00, s0;
	s26 =	simm.s32 $0x1  }
0xb: {  	v0 =	vlaneseq.u32;
	s4 =	sor.u32 s5, s4;
	s5 =	sshll.u32 s7, $0xD;
	s8 =	sshrl.u32 s31, $0x1  }
0xc: {  	v7 =	vmul.u32 $0x80, v0;
	s7 =	sshll.u32 s7, $0x6;
	s30 =	sadd.s32 s4, s0;
	s0 =	sadd.s32 s5, s0  }
0xd: {  	s12 =	ssub.s32 s31, s8;
	s7 =	sadd.s32 s1, s7;
	s1 =	simm.s32 $0x3  }
0xe: {  	v0 =	vor.u32 $0x60, v7;
	v1 =	vor.u32 $0x860, v7;
	s4 =	sadd.s32 $0x3600, s30;
	s5 =	sadd.s32 $0x2E00, s30;
	s6 =	sadd.s32 $0x2600, s30  }
0xf: {  	v2 =	vor.u32 $0x1060, v7;
	v3 =	vor.u32 $0x1860, v7;
	v4 =	vor.u32 $0x2060, v7;
	s8 =	sadd.s32 $0x3E00, s0;
	s9 =	sadd.s32 $0x4600, s0;
	s10 =	sadd.s32 $0x4E00, s0  }
0x10: {  	v5 =	vor.u32 $0x2860, v7;
	v6 =	vor.u32 $0x3060, v7;
	v7 =	vor.u32 $0x3860, v7;
	s11 =	sadd.s32 $0x5600, s0;
	s12 =	smax.u32 s12, $0x1;
	s0 =	simm.s32 $0x2  }
.LBB2_1:
0x11: {  	[tilespmem:s2], [sflag:$0x4] =	stream.linear.gather [hbm4b:s4+s2], $0x200, $0x38;
	[tilespmem:$0x1C800] =	vst v63  }
0x12: {  	_ =	swait.ge [sflag:s13], $0x200  }
0x13: {  	[sflag:s13] =	ssyncset.done $0x0  }
0x14: {  	s14 =	simm.s32 $0x200;
	[sflag:s13] =	ssyncadd.s32 $0xFFFFFE00  }
0x15: {  	[tilespmem:s14], [sflag:$0x4] =	stream.linear.gather [hbm4b:s5+s2], $0x200, $0x38;
	[tilespmem:$0x1C800] =	vst v63  }
0x16: {  	_ =	swait.ge [sflag:s13], $0x200  }
0x17: {  	[sflag:s13] =	ssyncset.done $0x0  }
0x18: {  	[sflag:s13] =	ssyncadd.s32 $0xFFFFFE00  }
0x19: {  	[tilespmem:s15], [sflag:$0x4] =	stream.linear.gather [hbm4b:s6+s2], $0x200, $0x38;
	[tilespmem:$0x1C800] =	vst v63  }
0x1a: {  	_ =	swait.ge [sflag:s13], $0x200  }
0x1b: {  	[sflag:s13] =	ssyncset.done $0x0  }
0x1c: {  	s16 =	simm.s32 $0x600;
	[sflag:s13] =	ssyncadd.s32 $0xFFFFFE00  }
0x1d: {  	[tilespmem:s16], [sflag:$0x4] =	stream.linear.gather [hbm4b:s7+s2], $0x200, $0x38;
	[tilespmem:$0x1C800] =	vst v63  }
0x1e: {  	_ =	swait.ge [sflag:s13], $0x200  }
0x1f: {  	[sflag:s13] =	ssyncset.done $0x0  }
0x20: {  	[sflag:s13] =	ssyncadd.s32 $0xFFFFFE00  }
0x21: {  	[tilespmem:s18], [sflag:$0x1] =	stream.indirect.gather [hbm4b:s3+s17], $0x80, s2, s17, $0xb8;
	[tilespmem:$0x1C800] =	vst v63  }
0x22: {  	_ = 	snop  }
0x23: {  	[tilespmem:s19], [sflag:$0x1] =	stream.indirect.gather [hbm4b:s3+s17], $0x80, s14, s17, $0xb8;
	[tilespmem:$0x1C800] =	vst v63  }
0x24: {  	_ = 	snop  }
0x25: {  	[tilespmem:s20], [sflag:$0x1] =	stream.indirect.gather [hbm4b:s3+s17], $0x80, s15, s17, $0xb8;
	[tilespmem:$0x1C800] =	vst v63  }
0x26: {  	_ = 	snop  }
0x27: {  	[tilespmem:s21], [sflag:$0x2] =	stream.indirect.gather [hbm4b:s3+s17], $0x80, s17, s17, $0xb8;
	[tilespmem:$0x1C800] =	vst v63  }
0x28: {  	s22 =	simm.s32 $0x280  }
0x29: {  	[tilespmem:s23], [sflag:$0x2] =	stream.indirect.gather [hbm4b:s3+s17], $0x80, s22, s17, $0xb8;
	[tilespmem:$0x1C800] =	vst v63  }
0x2a: {  	s24 =	simm.s32 $0x480  }
0x2b: {  	[tilespmem:s25], [sflag:$0x2] =	stream.indirect.gather [hbm4b:s3+s17], $0x80, s24, s17, $0xb8;
	[tilespmem:$0x1C800] =	vst v63  }
0x2c: {  	_ =	swait.ge [sflag:s26], $0x4000  }
0x2d: {  	[sflag:s26] =	ssyncset.done $0x0  }
0x2e: {  	[sflag:s26] =	ssyncadd.s32 $0xFFFFC000  }
0x2f: {  	_ =	swait.ge [sflag:s26], $0x4000  }
0x30: {  	[sflag:s26] =	ssyncset.done $0x0  }
0x31: {  	[sflag:s26] =	ssyncadd.s32 $0xFFFFC000  }
0x32: {  	_ =	swait.ge [sflag:s26], $0x4000  }
0x33: {  	[sflag:s26] =	ssyncset.done $0x0  }
0x34: {  	s16 =	simm.s32 $0x900;
	[sflag:s26] =	ssyncadd.s32 $0xFFFFC000  }
0x35: {  	v8 =	vld [tilespmem:s16+$0x80]  }
0x36: {  	v9 =	vld [tilespmem:s16+$0xFFFFFF80];
	_ =	sdelay $0x1  }
0x37: {  	v10 =	vld [tilespmem:s16+$0x0]  }
0x38: {  	s30 =	simm.s32 $0x18900;
	v11 =	vld [tilespmem:s16+$0xFFFFFF00]  }
0x39: {  	[tilespmem:s30+$0x80] =	vst v8  }
0x3a: {  	[tilespmem:s30+$0xFFFFFF80] =	vst v9;
	v8 =	vld [tilespmem:s16+$0x90]  }
0x3b: {  	v9 =	vld [tilespmem:s16+$0xFFFFFF90]  }
0x3c: {  	[tilespmem:s30+$0x0] =	vst v10  }
0x3d: {  	[tilespmem:s30+$0xFFFFFF00] =	vst v11;
	v10 =	vld [tilespmem:s16+$0x10]  }
0x3e: {  	v11 =	vld [tilespmem:s16+$0xFFFFFF10]  }
0x3f: {  	s22 =	simm.s32 $0x4920;
	[tilespmem:s30+$0x90] =	vst v8  }
0x40: {  	[tilespmem:s30+$0xFFFFFF90] =	vst v9;
	v8 =	vld [tilespmem:s22+$0x80]  }
0x41: {  	v9 =	vld [tilespmem:s22+$0xFFFFFF80]  }
0x42: {  	[tilespmem:s30+$0x10] =	vst v10  }
0x43: {  	[tilespmem:s30+$0xFFFFFF10] =	vst v11;
	v10 =	vld [tilespmem:s22+$0x0]  }
0x44: {  	v11 =	vld [tilespmem:s22+$0xFFFFFF00]  }
0x45: {  	[tilespmem:s30+$0xA0] =	vst v8  }
0x46: {  	[tilespmem:s30+$0xFFFFFFA0] =	vst v9;
	v8 =	vld [tilespmem:s22+$0x90]  }
0x47: {  	s24 =	simm.s32 $0xB00;
	v9 =	vld [tilespmem:s22+$0xFFFFFF90]  }
0x48: {  	v12 =	vld [tilespmem:s24+$0x80];
	[tilespmem:s30+$0x20] =	vst v10  }
0x49: {  	[tilespmem:s30+$0xFFFFFF20] =	vst v11;
	v10 =	vld [tilespmem:s22+$0x10]  }
0x4a: {  	v11 =	vld [tilespmem:s22+$0xFFFFFF10]  }
0x4b: {  	[tilespmem:s30+$0xB0] =	vst v8  }
0x4c: {  	s31 =	simm.s32 $0x18B00;
	s16 =	simm.s32 $0x8940;
	[tilespmem:s30+$0xFFFFFFB0] =	vst v9;
	v9 =	vld [tilespmem:s24+$0xFFFFFF80]  }
0x4d: {  	[tilespmem:s31+$0x80] =	vst v12;
	v8 =	vld [tilespmem:s16+$0x80]  }
0x4e: {  	[tilespmem:s30+$0x30] =	vst v10;
	v10 =	vld [tilespmem:s24+$0x0]  }
0x4f: {  	[tilespmem:s30+$0xFFFFFF30] =	vst v11;
	v11 =	vld [tilespmem:s24+$0xFFFFFF00]  }
0x50: {  	v13 =	vld [tilespmem:s24+$0x90]  }
0x51: {  	v12 =	vld [tilespmem:s16+$0xFFFFFF00];
	[tilespmem:s31+$0xFFFFFF80] =	vst v9  }
0x52: {  	[tilespmem:s30+$0xC0] =	vst v8;
	v9 =	vld [tilespmem:s24+$0xFFFFFF90]  }
0x53: {  	[tilespmem:s31+$0x0] =	vst v10;
	v8 =	vld [tilespmem:s16+$0x90]  }
0x54: {  	[tilespmem:s31+$0xFFFFFF00] =	vst v11;
	v10 =	vld [tilespmem:s24+$0x10]  }
0x55: {  	[tilespmem:s31+$0x90] =	vst v13;
	v11 =	vld [tilespmem:s24+$0xFFFFFF10]  }
0x56: {  	v13 =	vld [tilespmem:s16+$0x0];
	[tilespmem:s30+$0xFFFFFF40] =	vst v12  }
0x57: {  	s22 =	simm.s32 $0x4B20;
	v12 =	vld [tilespmem:s16+$0xFFFFFF80];
	[tilespmem:s31+$0xFFFFFF90] =	vst v9  }
0x58: {  	[tilespmem:s30+$0xD0] =	vst v8;
	v8 =	vld [tilespmem:s22+$0x80]  }
0x59: {  	[tilespmem:s31+$0x10] =	vst v10;
	v9 =	vld [tilespmem:s22+$0xFFFFFF80]  }
0x5a: {  	[tilespmem:s31+$0xFFFFFF10] =	vst v11;
	v10 =	vld [tilespmem:s22+$0x0]  }
0x5b: {  	[tilespmem:s30+$0x40] =	vst v13;
	v11 =	vld [tilespmem:s22+$0xFFFFFF00]  }
0x5c: {  	v14 =	vld [tilespmem:s16+$0xFFFFFF10];
	[tilespmem:s30+$0xFFFFFFC0] =	vst v12  }
0x5d: {  	[tilespmem:s31+$0xA0] =	vst v8;
	v8 =	vld [tilespmem:s16+$0xFFFFFF90]  }
0x5e: {  	[tilespmem:s31+$0xFFFFFFA0] =	vst v9;
	v12 =	vld [tilespmem:s22+$0x90]  }
0x5f: {  	[tilespmem:s31+$0x20] =	vst v10;
	v9 =	vld [tilespmem:s22+$0xFFFFFF90]  }
0x60: {  	[tilespmem:s31+$0xFFFFFF20] =	vst v11;
	v10 =	vld [tilespmem:s22+$0x10]  }
0x61: {  	[tilespmem:s30+$0xFFFFFF50] =	vst v14;
	v11 =	vld [tilespmem:s22+$0xFFFFFF10]  }
0x62: {  	s14 =	simm.s32 $0xD00;
	s24 =	simm.s32 $0x4;
	[tilespmem:s30+$0xFFFFFFD0] =	vst v8;
	v8 =	vld [tilespmem:s16+$0x10]  }
.LBB2_2:
0x63: {  	v13 =	vld [tilespmem:s14+$0x80];
	[tilespmem:s31+$0xB0] =	vst v12;
	s16 =	sadd.s32 $0x200, s16  }
0x64: {  	s24 =	sadd.s32 $0x4, s24;
	[tilespmem:s31+$0xFFFFFFB0] =	vst v9;
	v9 =	vld [tilespmem:s16+$0x80]  }
0x65: {  	p0 =	slt.u32 s24, $0x7C;
	v12 =	vld [tilespmem:s14+$0xFFFFFF80];
	[tilespmem:s31+$0x30] =	vst v10  }
0x66: {  	v10 =	vld [tilespmem:s14+$0x0];
	[tilespmem:s31+$0xFFFFFF30] =	vst v11  }
0x67: {  	v11 =	vld [tilespmem:s14+$0xFFFFFF00];
	[tilespmem:s30+$0x50] =	vst v8;
	s30 =	smov.u32 s31;
	s31 =	sadd.s32 $0x200, s31  }
0x68: {  	[tilespmem:s31+$0x80] =	vst v13;
	v8 =	vld [tilespmem:s16+$0xFFFFFF00]  }
0x69: {  	v13 =	vld [tilespmem:s14+$0x90];
	[tilespmem:s30+$0xC0] =	vst v9  }
0x6a: {  	[tilespmem:s31+$0xFFFFFF80] =	vst v12;
	v9 =	vld [tilespmem:s16+$0x90]  }
0x6b: {  	v12 =	vld [tilespmem:s14+$0xFFFFFF90];
	[tilespmem:s31+$0x0] =	vst v10  }
0x6c: {  	[tilespmem:s31+$0xFFFFFF00] =	vst v11;
	v10 =	vld [tilespmem:s14+$0x10]  }
0x6d: {  	v11 =	vld [tilespmem:s14+$0xFFFFFF10];
	[tilespmem:s30+$0xFFFFFF40] =	vst v8  }
0x6e: {  	[tilespmem:s31+$0x90] =	vst v13;
	v8 =	vld [tilespmem:s16+$0xFFFFFF80]  }
0x6f: {  	s22 =	sadd.s32 $0x200, s22;
	v13 =	vld [tilespmem:s16+$0x0];
	[tilespmem:s30+$0xD0] =	vst v9  }
0x70: {  	[tilespmem:s31+$0xFFFFFF90] =	vst v12;
	v9 =	vld [tilespmem:s22+$0x80]  }
0x71: {  	v12 =	vld [tilespmem:s22+$0xFFFFFF80];
	[tilespmem:s31+$0x10] =	vst v10  }
0x72: {  	[tilespmem:s31+$0xFFFFFF10] =	vst v11;
	v10 =	vld [tilespmem:s22+$0x0]  }
0x73: {  	v11 =	vld [tilespmem:s22+$0xFFFFFF00];
	[tilespmem:s30+$0xFFFFFFC0] =	vst v8  }
0x74: {  	v8 =	vld [tilespmem:s16+$0xFFFFFF10];
	[tilespmem:s30+$0x40] =	vst v13  }
0x75: {  	[tilespmem:s31+$0xA0] =	vst v9;
	v13 =	vld [tilespmem:s16+$0xFFFFFF90]  }
.Ltmp0:
0x76: {  	[tilespmem:s31+$0xFFFFFFA0] =	vst v12;
	v12 =	vld [tilespmem:s22+$0x90];
	(pc) =	sbr.rel @p0 .LBB2_2-.Ltmp0, $4  }
0x77: {  	v9 =	vld [tilespmem:s22+$0xFFFFFF90];
	[tilespmem:s31+$0x20] =	vst v10  }
0x78: {  	[tilespmem:s31+$0xFFFFFF20] =	vst v11;
	v10 =	vld [tilespmem:s22+$0x10]  }
0x79: {  	v11 =	vld [tilespmem:s22+$0xFFFFFF10];
	[tilespmem:s30+$0xFFFFFF50] =	vst v8  }
0x7a: {  	s14 =	sadd.s32 $0x200, s14;
	[tilespmem:s30+$0xFFFFFFD0] =	vst v13;
	v8 =	vld [tilespmem:s16+$0x10]  }
0x7b: {  	[tilespmem:s31+$0xB0] =	vst v12;
	s14 =	sadd.s32 $0x200, s16  }
0x7c: {  	v12 =	vld [tilespmem:s14+$0x80];
	[tilespmem:s31+$0xFFFFFFB0] =	vst v9  }
0x7d: {  	[tilespmem:s31+$0x30] =	vst v10;
	v10 =	vld [tilespmem:s14+$0xFFFFFF80]  }
0x7e: {  	[tilespmem:s31+$0xFFFFFF30] =	vst v11;
	v11 =	vld [tilespmem:s14+$0x0]  }
0x7f: {  	v9 =	vld [tilespmem:s14+$0xFFFFFF00];
	_ =	sdelay $0x1  }
0x80: {  	[tilespmem:s31+$0xC0] =	vst v12  }
0x81: {  	v12 =	vld [tilespmem:s14+$0x90];
	[tilespmem:s31+$0xFFFFFFC0] =	vst v10  }
0x82: {  	[tilespmem:s31+$0x40] =	vst v11;
	v10 =	vld [tilespmem:s14+$0xFFFFFF90]  }
0x83: {  	[tilespmem:s31+$0xFFFFFF40] =	vst v9;
	v11 =	vld [tilespmem:s14+$0x10]  }
0x84: {  	v9 =	vld [tilespmem:s14+$0xFFFFFF10]  }
0x85: {  	[tilespmem:s30+$0x50] =	vst v8  }
0x86: {  	[tilespmem:s31+$0xD0] =	vst v12  }
0x87: {  	[tilespmem:s31+$0xFFFFFFD0] =	vst v10  }
0x88: {  	[tilespmem:s31+$0x50] =	vst v11  }
0x89: {  	[tilespmem:s31+$0xFFFFFF50] =	vst v9  }
0x8a: {  	v8 =	vld [tilespmem:$0x600];
	_ =	sdelay $0x4  }
0x8b: {  	[tilespmem:v0+s28+$0x0] =	vst.idx.msk $0xffff, v8  }
0x8c: {  	v8 =	vld [tilespmem:$0x610];
	_ =	sdelay $0x4  }
0x8d: {  	[tilespmem:v1+s28+$0x0] =	vst.idx.msk $0xffff, v8  }
0x8e: {  	v8 =	vld [tilespmem:$0x620];
	_ =	sdelay $0x4  }
0x8f: {  	[tilespmem:v2+s28+$0x0] =	vst.idx.msk $0xffff, v8  }
0x90: {  	v8 =	vld [tilespmem:$0x630];
	_ =	sdelay $0x4  }
0x91: {  	[tilespmem:v3+s28+$0x0] =	vst.idx.msk $0xffff, v8  }
0x92: {  	v8 =	vld [tilespmem:$0x640];
	_ =	sdelay $0x4  }
0x93: {  	[tilespmem:v4+s28+$0x0] =	vst.idx.msk $0xffff, v8  }
0x94: {  	v8 =	vld [tilespmem:$0x650];
	_ =	sdelay $0x4  }
0x95: {  	[tilespmem:v5+s28+$0x0] =	vst.idx.msk $0xffff, v8  }
0x96: {  	v8 =	vld [tilespmem:$0x660];
	_ =	sdelay $0x4  }
0x97: {  	[tilespmem:v6+s28+$0x0] =	vst.idx.msk $0xffff, v8  }
0x98: {  	v8 =	vld [tilespmem:$0x670];
	_ =	sdelay $0x4  }
0x99: {  	[tilespmem:v7+s28+$0x0] =	vst.idx.msk $0xffff, v8  }
0x9a: {  	[hbm4b:s8+s2] =	stream.linear.scatter [tilespmem:s28], [sflag:$0x3], $0x4000, $0x38;
	[tilespmem:$0x1C800] =	vst v63  }
0x9b: {  	s16 =	simm.s32 $0x100  }
0x9c: {  	[tilespmem:s18], [sflag:$0x1] =	stream.indirect.gather [hbm4b:s3+s17], $0x80, s16, s17, $0xb8;
	[tilespmem:$0x1C800] =	vst v63  }
0x9d: {  	s22 =	simm.s32 $0x300  }
0x9e: {  	[tilespmem:s19], [sflag:$0x1] =	stream.indirect.gather [hbm4b:s3+s17], $0x80, s22, s17, $0xb8;
	[tilespmem:$0x1C800] =	vst v63  }
0x9f: {  	s24 =	simm.s32 $0x500  }
0xa0: {  	[tilespmem:s20], [sflag:$0x1] =	stream.indirect.gather [hbm4b:s3+s17], $0x80, s24, s17, $0xb8;
	[tilespmem:$0x1C800] =	vst v63  }
0xa1: {  	_ =	swait.ge [sflag:s0], $0x4000  }
0xa2: {  	[sflag:s0] =	ssyncset.done $0x0  }
0xa3: {  	[sflag:s0] =	ssyncadd.s32 $0xFFFFC000  }
0xa4: {  	_ =	swait.ge [sflag:s0], $0x4000  }
0xa5: {  	[sflag:s0] =	ssyncset.done $0x0  }
0xa6: {  	[sflag:s0] =	ssyncadd.s32 $0xFFFFC000  }
0xa7: {  	_ =	swait.ge [sflag:s0], $0x4000  }
0xa8: {  	[sflag:s0] =	ssyncset.done $0x0  }
0xa9: {  	[sflag:s0] =	ssyncadd.s32 $0xFFFFC000  }
0xaa: {  	_ =	swait.ge [sflag:s1], $0x4000  }
0xab: {  	[sflag:s1] =	ssyncset.done $0x0  }
0xac: {  	s16 =	simm.s32 $0xC900;
	[sflag:s1] =	ssyncadd.s32 $0xFFFFC000  }
0xad: {  	v8 =	vld [tilespmem:s16+$0x80]  }
0xae: {  	v9 =	vld [tilespmem:s16+$0xFFFFFF80];
	_ =	sdelay $0x1  }
0xaf: {  	v10 =	vld [tilespmem:s16+$0x0]  }
0xb0: {  	s30 =	simm.s32 $0x18900;
	v11 =	vld [tilespmem:s16+$0xFFFFFF00]  }
0xb1: {  	[tilespmem:s30+$0x80] =	vst v8  }
0xb2: {  	[tilespmem:s30+$0xFFFFFF80] =	vst v9;
	v8 =	vld [tilespmem:s16+$0x90]  }
0xb3: {  	v9 =	vld [tilespmem:s16+$0xFFFFFF90]  }
0xb4: {  	[tilespmem:s30+$0x0] =	vst v10  }
0xb5: {  	[tilespmem:s30+$0xFFFFFF00] =	vst v11;
	v10 =	vld [tilespmem:s16+$0x10]  }
0xb6: {  	v11 =	vld [tilespmem:s16+$0xFFFFFF10]  }
0xb7: {  	s22 =	simm.s32 $0x10920;
	[tilespmem:s30+$0x90] =	vst v8  }
0xb8: {  	[tilespmem:s30+$0xFFFFFF90] =	vst v9;
	v8 =	vld [tilespmem:s22+$0x80]  }
0xb9: {  	v9 =	vld [tilespmem:s22+$0xFFFFFF80]  }
0xba: {  	[tilespmem:s30+$0x10] =	vst v10  }
0xbb: {  	[tilespmem:s30+$0xFFFFFF10] =	vst v11;
	v10 =	vld [tilespmem:s22+$0x0]  }
0xbc: {  	v11 =	vld [tilespmem:s22+$0xFFFFFF00]  }
0xbd: {  	[tilespmem:s30+$0xA0] =	vst v8  }
0xbe: {  	[tilespmem:s30+$0xFFFFFFA0] =	vst v9;
	v8 =	vld [tilespmem:s22+$0x90]  }
0xbf: {  	s24 =	simm.s32 $0xCB00;
	v9 =	vld [tilespmem:s22+$0xFFFFFF90]  }
0xc0: {  	v12 =	vld [tilespmem:s24+$0x80];
	[tilespmem:s30+$0x20] =	vst v10  }
0xc1: {  	[tilespmem:s30+$0xFFFFFF20] =	vst v11;
	v10 =	vld [tilespmem:s22+$0x10]  }
0xc2: {  	v11 =	vld [tilespmem:s22+$0xFFFFFF10]  }
0xc3: {  	[tilespmem:s30+$0xB0] =	vst v8  }
0xc4: {  	s31 =	simm.s32 $0x18B00;
	s16 =	simm.s32 $0x14940;
	[tilespmem:s30+$0xFFFFFFB0] =	vst v9;
	v9 =	vld [tilespmem:s24+$0xFFFFFF80]  }
0xc5: {  	[tilespmem:s31+$0x80] =	vst v12;
	v8 =	vld [tilespmem:s16+$0x80]  }
0xc6: {  	[tilespmem:s30+$0x30] =	vst v10;
	v10 =	vld [tilespmem:s24+$0x0]  }
0xc7: {  	[tilespmem:s30+$0xFFFFFF30] =	vst v11;
	v11 =	vld [tilespmem:s24+$0xFFFFFF00]  }
0xc8: {  	v13 =	vld [tilespmem:s24+$0x90]  }
0xc9: {  	v12 =	vld [tilespmem:s16+$0xFFFFFF00];
	[tilespmem:s31+$0xFFFFFF80] =	vst v9  }
0xca: {  	[tilespmem:s30+$0xC0] =	vst v8;
	v9 =	vld [tilespmem:s24+$0xFFFFFF90]  }
0xcb: {  	[tilespmem:s31+$0x0] =	vst v10;
	v8 =	vld [tilespmem:s16+$0x90]  }
0xcc: {  	[tilespmem:s31+$0xFFFFFF00] =	vst v11;
	v10 =	vld [tilespmem:s24+$0x10]  }
0xcd: {  	[tilespmem:s31+$0x90] =	vst v13;
	v11 =	vld [tilespmem:s24+$0xFFFFFF10]  }
0xce: {  	v13 =	vld [tilespmem:s16+$0x0];
	[tilespmem:s30+$0xFFFFFF40] =	vst v12  }
0xcf: {  	s22 =	simm.s32 $0x10B20;
	v12 =	vld [tilespmem:s16+$0xFFFFFF80];
	[tilespmem:s31+$0xFFFFFF90] =	vst v9  }
0xd0: {  	[tilespmem:s30+$0xD0] =	vst v8;
	v8 =	vld [tilespmem:s22+$0x80]  }
0xd1: {  	[tilespmem:s31+$0x10] =	vst v10;
	v9 =	vld [tilespmem:s22+$0xFFFFFF80]  }
0xd2: {  	[tilespmem:s31+$0xFFFFFF10] =	vst v11;
	v10 =	vld [tilespmem:s22+$0x0]  }
0xd3: {  	[tilespmem:s30+$0x40] =	vst v13;
	v11 =	vld [tilespmem:s22+$0xFFFFFF00]  }
0xd4: {  	v14 =	vld [tilespmem:s16+$0xFFFFFF10];
	[tilespmem:s30+$0xFFFFFFC0] =	vst v12  }
0xd5: {  	[tilespmem:s31+$0xA0] =	vst v8;
	v8 =	vld [tilespmem:s16+$0xFFFFFF90]  }
0xd6: {  	[tilespmem:s31+$0xFFFFFFA0] =	vst v9;
	v12 =	vld [tilespmem:s22+$0x90]  }
0xd7: {  	[tilespmem:s31+$0x20] =	vst v10;
	v9 =	vld [tilespmem:s22+$0xFFFFFF90]  }
0xd8: {  	[tilespmem:s31+$0xFFFFFF20] =	vst v11;
	v10 =	vld [tilespmem:s22+$0x10]  }
0xd9: {  	[tilespmem:s30+$0xFFFFFF50] =	vst v14;
	v11 =	vld [tilespmem:s22+$0xFFFFFF10]  }
0xda: {  	s14 =	simm.s32 $0xCD00;
	s24 =	simm.s32 $0x4;
	[tilespmem:s30+$0xFFFFFFD0] =	vst v8;
	v8 =	vld [tilespmem:s16+$0x10]  }
.LBB2_4:
0xdb: {  	v13 =	vld [tilespmem:s14+$0x80];
	[tilespmem:s31+$0xB0] =	vst v12;
	s16 =	sadd.s32 $0x200, s16  }
0xdc: {  	s24 =	sadd.s32 $0x4, s24;
	[tilespmem:s31+$0xFFFFFFB0] =	vst v9;
	v9 =	vld [tilespmem:s16+$0x80]  }
0xdd: {  	p0 =	slt.u32 s24, $0x7C;
	v12 =	vld [tilespmem:s14+$0xFFFFFF80];
	[tilespmem:s31+$0x30] =	vst v10  }
0xde: {  	v10 =	vld [tilespmem:s14+$0x0];
	[tilespmem:s31+$0xFFFFFF30] =	vst v11  }
0xdf: {  	v11 =	vld [tilespmem:s14+$0xFFFFFF00];
	[tilespmem:s30+$0x50] =	vst v8;
	s30 =	smov.u32 s31;
	s31 =	sadd.s32 $0x200, s31  }
0xe0: {  	[tilespmem:s31+$0x80] =	vst v13;
	v8 =	vld [tilespmem:s16+$0xFFFFFF00]  }
0xe1: {  	v13 =	vld [tilespmem:s14+$0x90];
	[tilespmem:s30+$0xC0] =	vst v9  }
0xe2: {  	[tilespmem:s31+$0xFFFFFF80] =	vst v12;
	v9 =	vld [tilespmem:s16+$0x90]  }
0xe3: {  	v12 =	vld [tilespmem:s14+$0xFFFFFF90];
	[tilespmem:s31+$0x0] =	vst v10  }
0xe4: {  	[tilespmem:s31+$0xFFFFFF00] =	vst v11;
	v10 =	vld [tilespmem:s14+$0x10]  }
0xe5: {  	v11 =	vld [tilespmem:s14+$0xFFFFFF10];
	[tilespmem:s30+$0xFFFFFF40] =	vst v8  }
0xe6: {  	[tilespmem:s31+$0x90] =	vst v13;
	v8 =	vld [tilespmem:s16+$0xFFFFFF80]  }
0xe7: {  	s22 =	sadd.s32 $0x200, s22;
	v13 =	vld [tilespmem:s16+$0x0];
	[tilespmem:s30+$0xD0] =	vst v9  }
0xe8: {  	[tilespmem:s31+$0xFFFFFF90] =	vst v12;
	v9 =	vld [tilespmem:s22+$0x80]  }
0xe9: {  	v12 =	vld [tilespmem:s22+$0xFFFFFF80];
	[tilespmem:s31+$0x10] =	vst v10  }
0xea: {  	[tilespmem:s31+$0xFFFFFF10] =	vst v11;
	v10 =	vld [tilespmem:s22+$0x0]  }
0xeb: {  	v11 =	vld [tilespmem:s22+$0xFFFFFF00];
	[tilespmem:s30+$0xFFFFFFC0] =	vst v8  }
0xec: {  	v8 =	vld [tilespmem:s16+$0xFFFFFF10];
	[tilespmem:s30+$0x40] =	vst v13  }
0xed: {  	[tilespmem:s31+$0xA0] =	vst v9;
	v13 =	vld [tilespmem:s16+$0xFFFFFF90]  }
.Ltmp1:
0xee: {  	[tilespmem:s31+$0xFFFFFFA0] =	vst v12;
	v12 =	vld [tilespmem:s22+$0x90];
	(pc) =	sbr.rel @p0 .LBB2_4-.Ltmp1, $4  }
0xef: {  	v9 =	vld [tilespmem:s22+$0xFFFFFF90];
	[tilespmem:s31+$0x20] =	vst v10  }
0xf0: {  	[tilespmem:s31+$0xFFFFFF20] =	vst v11;
	v10 =	vld [tilespmem:s22+$0x10]  }
0xf1: {  	v11 =	vld [tilespmem:s22+$0xFFFFFF10];
	[tilespmem:s30+$0xFFFFFF50] =	vst v8  }
0xf2: {  	s14 =	sadd.s32 $0x200, s14;
	[tilespmem:s30+$0xFFFFFFD0] =	vst v13;
	v8 =	vld [tilespmem:s16+$0x10]  }
0xf3: {  	[tilespmem:s31+$0xB0] =	vst v12;
	s14 =	sadd.s32 $0x200, s16  }
0xf4: {  	v12 =	vld [tilespmem:s14+$0x80];
	[tilespmem:s31+$0xFFFFFFB0] =	vst v9  }
0xf5: {  	[tilespmem:s31+$0x30] =	vst v10;
	v10 =	vld [tilespmem:s14+$0xFFFFFF80]  }
0xf6: {  	[tilespmem:s31+$0xFFFFFF30] =	vst v11;
	v11 =	vld [tilespmem:s14+$0x0]  }
0xf7: {  	v9 =	vld [tilespmem:s14+$0xFFFFFF00];
	_ =	sdelay $0x1  }
0xf8: {  	[tilespmem:s31+$0xC0] =	vst v12  }
0xf9: {  	v12 =	vld [tilespmem:s14+$0x90];
	[tilespmem:s31+$0xFFFFFFC0] =	vst v10  }
0xfa: {  	[tilespmem:s31+$0x40] =	vst v11;
	v10 =	vld [tilespmem:s14+$0xFFFFFF90]  }
0xfb: {  	[tilespmem:s31+$0xFFFFFF40] =	vst v9;
	v11 =	vld [tilespmem:s14+$0x10]  }
0xfc: {  	v9 =	vld [tilespmem:s14+$0xFFFFFF10]  }
0xfd: {  	[tilespmem:s30+$0x50] =	vst v8  }
0xfe: {  	[tilespmem:s31+$0xD0] =	vst v12  }
0xff: {  	[tilespmem:s31+$0xFFFFFFD0] =	vst v10  }
0x100: {  	[tilespmem:s31+$0x50] =	vst v11  }
0x101: {  	[tilespmem:s31+$0xFFFFFF50] =	vst v9  }
0x102: {  	v8 =	vld [tilespmem:$0x680];
	_ =	sdelay $0x4  }
0x103: {  	[tilespmem:v0+s28+$0x0] =	vst.idx.msk $0xffff, v8  }
0x104: {  	v8 =	vld [tilespmem:$0x690];
	_ =	sdelay $0x4  }
0x105: {  	[tilespmem:v1+s28+$0x0] =	vst.idx.msk $0xffff, v8  }
0x106: {  	v8 =	vld [tilespmem:$0x6A0];
	_ =	sdelay $0x4  }
0x107: {  	[tilespmem:v2+s28+$0x0] =	vst.idx.msk $0xffff, v8  }
0x108: {  	v8 =	vld [tilespmem:$0x6B0];
	_ =	sdelay $0x4  }
0x109: {  	[tilespmem:v3+s28+$0x0] =	vst.idx.msk $0xffff, v8  }
0x10a: {  	v8 =	vld [tilespmem:$0x6C0];
	_ =	sdelay $0x4  }
0x10b: {  	[tilespmem:v4+s28+$0x0] =	vst.idx.msk $0xffff, v8  }
0x10c: {  	v8 =	vld [tilespmem:$0x6D0];
	_ =	sdelay $0x4  }
0x10d: {  	[tilespmem:v5+s28+$0x0] =	vst.idx.msk $0xffff, v8  }
0x10e: {  	v8 =	vld [tilespmem:$0x6E0];
	_ =	sdelay $0x4  }
0x10f: {  	[tilespmem:v6+s28+$0x0] =	vst.idx.msk $0xffff, v8  }
0x110: {  	v8 =	vld [tilespmem:$0x6F0];
	_ =	sdelay $0x4  }
0x111: {  	[tilespmem:v7+s28+$0x0] =	vst.idx.msk $0xffff, v8  }
0x112: {  	[hbm4b:s9+s2] =	stream.linear.scatter [tilespmem:s28], [sflag:$0x3], $0x4000, $0x38;
	[tilespmem:$0x1C800] =	vst v63  }
0x113: {  	s16 =	simm.s32 $0x180  }
0x114: {  	[tilespmem:s21], [sflag:$0x2] =	stream.indirect.gather [hbm4b:s3+s17], $0x80, s16, s17, $0xb8;
	[tilespmem:$0x1C800] =	vst v63  }
0x115: {  	s22 =	simm.s32 $0x380  }
0x116: {  	[tilespmem:s23], [sflag:$0x2] =	stream.indirect.gather [hbm4b:s3+s17], $0x80, s22, s17, $0xb8;
	[tilespmem:$0x1C800] =	vst v63  }
0x117: {  	s24 =	simm.s32 $0x580  }
0x118: {  	[tilespmem:s25], [sflag:$0x2] =	stream.indirect.gather [hbm4b:s3+s17], $0x80, s24, s17, $0xb8;
	[tilespmem:$0x1C800] =	vst v63  }
0x119: {  	_ =	swait.ge [sflag:s26], $0x4000  }
0x11a: {  	[sflag:s26] =	ssyncset.done $0x0  }
0x11b: {  	[sflag:s26] =	ssyncadd.s32 $0xFFFFC000  }
0x11c: {  	_ =	swait.ge [sflag:s26], $0x4000  }
0x11d: {  	[sflag:s26] =	ssyncset.done $0x0  }
0x11e: {  	[sflag:s26] =	ssyncadd.s32 $0xFFFFC000  }
0x11f: {  	_ =	swait.ge [sflag:s26], $0x4000  }
0x120: {  	[sflag:s26] =	ssyncset.done $0x0  }
0x121: {  	[sflag:s26] =	ssyncadd.s32 $0xFFFFC000  }
0x122: {  	_ =	swait.ge [sflag:s1], $0x4000  }
0x123: {  	[sflag:s1] =	ssyncset.done $0x0  }
0x124: {  	s16 =	simm.s32 $0x900;
	[sflag:s1] =	ssyncadd.s32 $0xFFFFC000  }
0x125: {  	v8 =	vld [tilespmem:s16+$0x80]  }
0x126: {  	v9 =	vld [tilespmem:s16+$0xFFFFFF80];
	_ =	sdelay $0x1  }
0x127: {  	v10 =	vld [tilespmem:s16+$0x0]  }
0x128: {  	s30 =	simm.s32 $0x18900;
	v11 =	vld [tilespmem:s16+$0xFFFFFF00]  }
0x129: {  	[tilespmem:s30+$0x80] =	vst v8  }
0x12a: {  	[tilespmem:s30+$0xFFFFFF80] =	vst v9;
	v8 =	vld [tilespmem:s16+$0x90]  }
0x12b: {  	v9 =	vld [tilespmem:s16+$0xFFFFFF90]  }
0x12c: {  	[tilespmem:s30+$0x0] =	vst v10  }
0x12d: {  	[tilespmem:s30+$0xFFFFFF00] =	vst v11;
	v10 =	vld [tilespmem:s16+$0x10]  }
0x12e: {  	v11 =	vld [tilespmem:s16+$0xFFFFFF10]  }
0x12f: {  	s22 =	simm.s32 $0x4920;
	[tilespmem:s30+$0x90] =	vst v8  }
0x130: {  	[tilespmem:s30+$0xFFFFFF90] =	vst v9;
	v8 =	vld [tilespmem:s22+$0x80]  }
0x131: {  	v9 =	vld [tilespmem:s22+$0xFFFFFF80]  }
0x132: {  	[tilespmem:s30+$0x10] =	vst v10  }
0x133: {  	[tilespmem:s30+$0xFFFFFF10] =	vst v11;
	v10 =	vld [tilespmem:s22+$0x0]  }
0x134: {  	v11 =	vld [tilespmem:s22+$0xFFFFFF00]  }
0x135: {  	[tilespmem:s30+$0xA0] =	vst v8  }
0x136: {  	[tilespmem:s30+$0xFFFFFFA0] =	vst v9;
	v8 =	vld [tilespmem:s22+$0x90]  }
0x137: {  	s24 =	simm.s32 $0xB00;
	v9 =	vld [tilespmem:s22+$0xFFFFFF90]  }
0x138: {  	v12 =	vld [tilespmem:s24+$0x80];
	[tilespmem:s30+$0x20] =	vst v10  }
0x139: {  	[tilespmem:s30+$0xFFFFFF20] =	vst v11;
	v10 =	vld [tilespmem:s22+$0x10]  }
0x13a: {  	v11 =	vld [tilespmem:s22+$0xFFFFFF10]  }
0x13b: {  	[tilespmem:s30+$0xB0] =	vst v8  }
0x13c: {  	s31 =	simm.s32 $0x18B00;
	s16 =	simm.s32 $0x8940;
	[tilespmem:s30+$0xFFFFFFB0] =	vst v9;
	v9 =	vld [tilespmem:s24+$0xFFFFFF80]  }
0x13d: {  	[tilespmem:s31+$0x80] =	vst v12;
	v8 =	vld [tilespmem:s16+$0x80]  }
0x13e: {  	[tilespmem:s30+$0x30] =	vst v10;
	v10 =	vld [tilespmem:s24+$0x0]  }
0x13f: {  	[tilespmem:s30+$0xFFFFFF30] =	vst v11;
	v11 =	vld [tilespmem:s24+$0xFFFFFF00]  }
0x140: {  	v13 =	vld [tilespmem:s24+$0x90]  }
0x141: {  	v12 =	vld [tilespmem:s16+$0xFFFFFF00];
	[tilespmem:s31+$0xFFFFFF80] =	vst v9  }
0x142: {  	[tilespmem:s30+$0xC0] =	vst v8;
	v9 =	vld [tilespmem:s24+$0xFFFFFF90]  }
0x143: {  	[tilespmem:s31+$0x0] =	vst v10;
	v8 =	vld [tilespmem:s16+$0x90]  }
0x144: {  	[tilespmem:s31+$0xFFFFFF00] =	vst v11;
	v10 =	vld [tilespmem:s24+$0x10]  }
0x145: {  	[tilespmem:s31+$0x90] =	vst v13;
	v11 =	vld [tilespmem:s24+$0xFFFFFF10]  }
0x146: {  	v13 =	vld [tilespmem:s16+$0x0];
	[tilespmem:s30+$0xFFFFFF40] =	vst v12  }
0x147: {  	s22 =	simm.s32 $0x4B20;
	v12 =	vld [tilespmem:s16+$0xFFFFFF80];
	[tilespmem:s31+$0xFFFFFF90] =	vst v9  }
0x148: {  	[tilespmem:s30+$0xD0] =	vst v8;
	v8 =	vld [tilespmem:s22+$0x80]  }
0x149: {  	[tilespmem:s31+$0x10] =	vst v10;
	v9 =	vld [tilespmem:s22+$0xFFFFFF80]  }
0x14a: {  	[tilespmem:s31+$0xFFFFFF10] =	vst v11;
	v10 =	vld [tilespmem:s22+$0x0]  }
0x14b: {  	[tilespmem:s30+$0x40] =	vst v13;
	v11 =	vld [tilespmem:s22+$0xFFFFFF00]  }
0x14c: {  	v14 =	vld [tilespmem:s16+$0xFFFFFF10];
	[tilespmem:s30+$0xFFFFFFC0] =	vst v12  }
0x14d: {  	[tilespmem:s31+$0xA0] =	vst v8;
	v8 =	vld [tilespmem:s16+$0xFFFFFF90]  }
0x14e: {  	[tilespmem:s31+$0xFFFFFFA0] =	vst v9;
	v12 =	vld [tilespmem:s22+$0x90]  }
0x14f: {  	[tilespmem:s31+$0x20] =	vst v10;
	v9 =	vld [tilespmem:s22+$0xFFFFFF90]  }
0x150: {  	[tilespmem:s31+$0xFFFFFF20] =	vst v11;
	v10 =	vld [tilespmem:s22+$0x10]  }
0x151: {  	[tilespmem:s30+$0xFFFFFF50] =	vst v14;
	v11 =	vld [tilespmem:s22+$0xFFFFFF10]  }
0x152: {  	s14 =	simm.s32 $0xD00;
	s24 =	simm.s32 $0x4;
	[tilespmem:s30+$0xFFFFFFD0] =	vst v8;
	v8 =	vld [tilespmem:s16+$0x10]  }
.LBB2_6:
0x153: {  	v13 =	vld [tilespmem:s14+$0x80];
	[tilespmem:s31+$0xB0] =	vst v12;
	s16 =	sadd.s32 $0x200, s16  }
0x154: {  	s24 =	sadd.s32 $0x4, s24;
	[tilespmem:s31+$0xFFFFFFB0] =	vst v9;
	v9 =	vld [tilespmem:s16+$0x80]  }
0x155: {  	p0 =	slt.u32 s24, $0x7C;
	v12 =	vld [tilespmem:s14+$0xFFFFFF80];
	[tilespmem:s31+$0x30] =	vst v10  }
0x156: {  	v10 =	vld [tilespmem:s14+$0x0];
	[tilespmem:s31+$0xFFFFFF30] =	vst v11  }
0x157: {  	v11 =	vld [tilespmem:s14+$0xFFFFFF00];
	[tilespmem:s30+$0x50] =	vst v8;
	s30 =	smov.u32 s31;
	s31 =	sadd.s32 $0x200, s31  }
0x158: {  	[tilespmem:s31+$0x80] =	vst v13;
	v8 =	vld [tilespmem:s16+$0xFFFFFF00]  }
0x159: {  	v13 =	vld [tilespmem:s14+$0x90];
	[tilespmem:s30+$0xC0] =	vst v9  }
0x15a: {  	[tilespmem:s31+$0xFFFFFF80] =	vst v12;
	v9 =	vld [tilespmem:s16+$0x90]  }
0x15b: {  	v12 =	vld [tilespmem:s14+$0xFFFFFF90];
	[tilespmem:s31+$0x0] =	vst v10  }
0x15c: {  	[tilespmem:s31+$0xFFFFFF00] =	vst v11;
	v10 =	vld [tilespmem:s14+$0x10]  }
0x15d: {  	v11 =	vld [tilespmem:s14+$0xFFFFFF10];
	[tilespmem:s30+$0xFFFFFF40] =	vst v8  }
0x15e: {  	[tilespmem:s31+$0x90] =	vst v13;
	v8 =	vld [tilespmem:s16+$0xFFFFFF80]  }
0x15f: {  	s22 =	sadd.s32 $0x200, s22;
	v13 =	vld [tilespmem:s16+$0x0];
	[tilespmem:s30+$0xD0] =	vst v9  }
0x160: {  	[tilespmem:s31+$0xFFFFFF90] =	vst v12;
	v9 =	vld [tilespmem:s22+$0x80]  }
0x161: {  	v12 =	vld [tilespmem:s22+$0xFFFFFF80];
	[tilespmem:s31+$0x10] =	vst v10  }
0x162: {  	[tilespmem:s31+$0xFFFFFF10] =	vst v11;
	v10 =	vld [tilespmem:s22+$0x0]  }
0x163: {  	v11 =	vld [tilespmem:s22+$0xFFFFFF00];
	[tilespmem:s30+$0xFFFFFFC0] =	vst v8  }
0x164: {  	v8 =	vld [tilespmem:s16+$0xFFFFFF10];
	[tilespmem:s30+$0x40] =	vst v13  }
0x165: {  	[tilespmem:s31+$0xA0] =	vst v9;
	v13 =	vld [tilespmem:s16+$0xFFFFFF90]  }
.Ltmp2:
0x166: {  	[tilespmem:s31+$0xFFFFFFA0] =	vst v12;
	v12 =	vld [tilespmem:s22+$0x90];
	(pc) =	sbr.rel @p0 .LBB2_6-.Ltmp2, $4  }
0x167: {  	v9 =	vld [tilespmem:s22+$0xFFFFFF90];
	[tilespmem:s31+$0x20] =	vst v10  }
0x168: {  	[tilespmem:s31+$0xFFFFFF20] =	vst v11;
	v10 =	vld [tilespmem:s22+$0x10]  }
0x169: {  	v11 =	vld [tilespmem:s22+$0xFFFFFF10];
	[tilespmem:s30+$0xFFFFFF50] =	vst v8  }
0x16a: {  	s14 =	sadd.s32 $0x200, s14;
	[tilespmem:s30+$0xFFFFFFD0] =	vst v13;
	v8 =	vld [tilespmem:s16+$0x10]  }
0x16b: {  	[tilespmem:s31+$0xB0] =	vst v12;
	s14 =	sadd.s32 $0x200, s16  }
0x16c: {  	v12 =	vld [tilespmem:s14+$0x80];
	[tilespmem:s31+$0xFFFFFFB0] =	vst v9  }
0x16d: {  	[tilespmem:s31+$0x30] =	vst v10;
	v10 =	vld [tilespmem:s14+$0xFFFFFF80]  }
0x16e: {  	[tilespmem:s31+$0xFFFFFF30] =	vst v11;
	v11 =	vld [tilespmem:s14+$0x0]  }
0x16f: {  	v9 =	vld [tilespmem:s14+$0xFFFFFF00];
	_ =	sdelay $0x1  }
0x170: {  	[tilespmem:s31+$0xC0] =	vst v12  }
0x171: {  	v12 =	vld [tilespmem:s14+$0x90];
	[tilespmem:s31+$0xFFFFFFC0] =	vst v10  }
0x172: {  	[tilespmem:s31+$0x40] =	vst v11;
	v10 =	vld [tilespmem:s14+$0xFFFFFF90]  }
0x173: {  	[tilespmem:s31+$0xFFFFFF40] =	vst v9;
	v11 =	vld [tilespmem:s14+$0x10]  }
0x174: {  	v9 =	vld [tilespmem:s14+$0xFFFFFF10]  }
0x175: {  	[tilespmem:s30+$0x50] =	vst v8  }
0x176: {  	[tilespmem:s31+$0xD0] =	vst v12  }
0x177: {  	[tilespmem:s31+$0xFFFFFFD0] =	vst v10  }
0x178: {  	[tilespmem:s31+$0x50] =	vst v11  }
0x179: {  	[tilespmem:s31+$0xFFFFFF50] =	vst v9  }
0x17a: {  	v8 =	vld [tilespmem:$0x700];
	_ =	sdelay $0x4  }
0x17b: {  	[tilespmem:v0+s28+$0x0] =	vst.idx.msk $0xffff, v8  }
0x17c: {  	v8 =	vld [tilespmem:$0x710];
	_ =	sdelay $0x4  }
0x17d: {  	[tilespmem:v1+s28+$0x0] =	vst.idx.msk $0xffff, v8  }
0x17e: {  	v8 =	vld [tilespmem:$0x720];
	_ =	sdelay $0x4  }
0x17f: {  	[tilespmem:v2+s28+$0x0] =	vst.idx.msk $0xffff, v8  }
0x180: {  	v8 =	vld [tilespmem:$0x730];
	_ =	sdelay $0x4  }
0x181: {  	[tilespmem:v3+s28+$0x0] =	vst.idx.msk $0xffff, v8  }
0x182: {  	v8 =	vld [tilespmem:$0x740];
	_ =	sdelay $0x4  }
0x183: {  	[tilespmem:v4+s28+$0x0] =	vst.idx.msk $0xffff, v8  }
0x184: {  	v8 =	vld [tilespmem:$0x750];
	_ =	sdelay $0x4  }
0x185: {  	[tilespmem:v5+s28+$0x0] =	vst.idx.msk $0xffff, v8  }
0x186: {  	v8 =	vld [tilespmem:$0x760];
	_ =	sdelay $0x4  }
0x187: {  	[tilespmem:v6+s28+$0x0] =	vst.idx.msk $0xffff, v8  }
0x188: {  	v8 =	vld [tilespmem:$0x770];
	_ =	sdelay $0x4  }
0x189: {  	[tilespmem:v7+s28+$0x0] =	vst.idx.msk $0xffff, v8  }
0x18a: {  	[hbm4b:s10+s2] =	stream.linear.scatter [tilespmem:s28], [sflag:$0x3], $0x4000, $0x38;
	[tilespmem:$0x1C800] =	vst v63  }
0x18b: {  	_ =	swait.ge [sflag:s0], $0x4000  }
0x18c: {  	[sflag:s0] =	ssyncset.done $0x0  }
0x18d: {  	[sflag:s0] =	ssyncadd.s32 $0xFFFFC000  }
0x18e: {  	_ =	swait.ge [sflag:s0], $0x4000  }
0x18f: {  	[sflag:s0] =	ssyncset.done $0x0  }
0x190: {  	[sflag:s0] =	ssyncadd.s32 $0xFFFFC000  }
0x191: {  	_ =	swait.ge [sflag:s0], $0x4000  }
0x192: {  	[sflag:s0] =	ssyncset.done $0x0  }
0x193: {  	[sflag:s0] =	ssyncadd.s32 $0xFFFFC000  }
0x194: {  	_ =	swait.ge [sflag:s1], $0x4000  }
0x195: {  	[sflag:s1] =	ssyncset.done $0x0  }
0x196: {  	s16 =	simm.s32 $0xC900;
	[sflag:s1] =	ssyncadd.s32 $0xFFFFC000  }
0x197: {  	v8 =	vld [tilespmem:s16+$0x80]  }
0x198: {  	v9 =	vld [tilespmem:s16+$0xFFFFFF80];
	_ =	sdelay $0x1  }
0x199: {  	v10 =	vld [tilespmem:s16+$0x0]  }
0x19a: {  	s30 =	simm.s32 $0x18900;
	v11 =	vld [tilespmem:s16+$0xFFFFFF00]  }
0x19b: {  	[tilespmem:s30+$0x80] =	vst v8  }
0x19c: {  	[tilespmem:s30+$0xFFFFFF80] =	vst v9;
	v8 =	vld [tilespmem:s16+$0x90]  }
0x19d: {  	v9 =	vld [tilespmem:s16+$0xFFFFFF90]  }
0x19e: {  	[tilespmem:s30+$0x0] =	vst v10  }
0x19f: {  	[tilespmem:s30+$0xFFFFFF00] =	vst v11;
	v10 =	vld [tilespmem:s16+$0x10]  }
0x1a0: {  	v11 =	vld [tilespmem:s16+$0xFFFFFF10]  }
0x1a1: {  	s22 =	simm.s32 $0x10920;
	[tilespmem:s30+$0x90] =	vst v8  }
0x1a2: {  	[tilespmem:s30+$0xFFFFFF90] =	vst v9;
	v8 =	vld [tilespmem:s22+$0x80]  }
0x1a3: {  	v9 =	vld [tilespmem:s22+$0xFFFFFF80]  }
0x1a4: {  	[tilespmem:s30+$0x10] =	vst v10  }
0x1a5: {  	[tilespmem:s30+$0xFFFFFF10] =	vst v11;
	v10 =	vld [tilespmem:s22+$0x0]  }
0x1a6: {  	v11 =	vld [tilespmem:s22+$0xFFFFFF00]  }
0x1a7: {  	[tilespmem:s30+$0xA0] =	vst v8  }
0x1a8: {  	[tilespmem:s30+$0xFFFFFFA0] =	vst v9;
	v8 =	vld [tilespmem:s22+$0x90]  }
0x1a9: {  	s24 =	simm.s32 $0xCB00;
	v9 =	vld [tilespmem:s22+$0xFFFFFF90]  }
0x1aa: {  	v12 =	vld [tilespmem:s24+$0x80];
	[tilespmem:s30+$0x20] =	vst v10  }
0x1ab: {  	[tilespmem:s30+$0xFFFFFF20] =	vst v11;
	v10 =	vld [tilespmem:s22+$0x10]  }
0x1ac: {  	v11 =	vld [tilespmem:s22+$0xFFFFFF10]  }
0x1ad: {  	[tilespmem:s30+$0xB0] =	vst v8  }
0x1ae: {  	s31 =	simm.s32 $0x18B00;
	s16 =	simm.s32 $0x14940;
	[tilespmem:s30+$0xFFFFFFB0] =	vst v9;
	v9 =	vld [tilespmem:s24+$0xFFFFFF80]  }
0x1af: {  	[tilespmem:s31+$0x80] =	vst v12;
	v8 =	vld [tilespmem:s16+$0x80]  }
0x1b0: {  	[tilespmem:s30+$0x30] =	vst v10;
	v10 =	vld [tilespmem:s24+$0x0]  }
0x1b1: {  	[tilespmem:s30+$0xFFFFFF30] =	vst v11;
	v11 =	vld [tilespmem:s24+$0xFFFFFF00]  }
0x1b2: {  	v13 =	vld [tilespmem:s24+$0x90]  }
0x1b3: {  	v12 =	vld [tilespmem:s16+$0xFFFFFF00];
	[tilespmem:s31+$0xFFFFFF80] =	vst v9  }
0x1b4: {  	[tilespmem:s30+$0xC0] =	vst v8;
	v9 =	vld [tilespmem:s24+$0xFFFFFF90]  }
0x1b5: {  	[tilespmem:s31+$0x0] =	vst v10;
	v8 =	vld [tilespmem:s16+$0x90]  }
0x1b6: {  	[tilespmem:s31+$0xFFFFFF00] =	vst v11;
	v10 =	vld [tilespmem:s24+$0x10]  }
0x1b7: {  	[tilespmem:s31+$0x90] =	vst v13;
	v11 =	vld [tilespmem:s24+$0xFFFFFF10]  }
0x1b8: {  	v13 =	vld [tilespmem:s16+$0x0];
	[tilespmem:s30+$0xFFFFFF40] =	vst v12  }
0x1b9: {  	s22 =	simm.s32 $0x10B20;
	v12 =	vld [tilespmem:s16+$0xFFFFFF80];
	[tilespmem:s31+$0xFFFFFF90] =	vst v9  }
0x1ba: {  	[tilespmem:s30+$0xD0] =	vst v8;
	v8 =	vld [tilespmem:s22+$0x80]  }
0x1bb: {  	[tilespmem:s31+$0x10] =	vst v10;
	v9 =	vld [tilespmem:s22+$0xFFFFFF80]  }
0x1bc: {  	[tilespmem:s31+$0xFFFFFF10] =	vst v11;
	v10 =	vld [tilespmem:s22+$0x0]  }
0x1bd: {  	[tilespmem:s30+$0x40] =	vst v13;
	v11 =	vld [tilespmem:s22+$0xFFFFFF00]  }
0x1be: {  	v14 =	vld [tilespmem:s16+$0xFFFFFF10];
	[tilespmem:s30+$0xFFFFFFC0] =	vst v12  }
0x1bf: {  	[tilespmem:s31+$0xA0] =	vst v8;
	v8 =	vld [tilespmem:s16+$0xFFFFFF90]  }
0x1c0: {  	[tilespmem:s31+$0xFFFFFFA0] =	vst v9;
	v12 =	vld [tilespmem:s22+$0x90]  }
0x1c1: {  	[tilespmem:s31+$0x20] =	vst v10;
	v9 =	vld [tilespmem:s22+$0xFFFFFF90]  }
0x1c2: {  	[tilespmem:s31+$0xFFFFFF20] =	vst v11;
	v10 =	vld [tilespmem:s22+$0x10]  }
0x1c3: {  	[tilespmem:s30+$0xFFFFFF50] =	vst v14;
	v11 =	vld [tilespmem:s22+$0xFFFFFF10]  }
0x1c4: {  	s14 =	simm.s32 $0xCD00;
	s24 =	simm.s32 $0x4;
	[tilespmem:s30+$0xFFFFFFD0] =	vst v8;
	v8 =	vld [tilespmem:s16+$0x10]  }
.LBB2_8:
0x1c5: {  	v13 =	vld [tilespmem:s14+$0x80];
	[tilespmem:s31+$0xB0] =	vst v12;
	s16 =	sadd.s32 $0x200, s16  }
0x1c6: {  	s24 =	sadd.s32 $0x4, s24;
	[tilespmem:s31+$0xFFFFFFB0] =	vst v9;
	v9 =	vld [tilespmem:s16+$0x80]  }
0x1c7: {  	p0 =	slt.u32 s24, $0x7C;
	v12 =	vld [tilespmem:s14+$0xFFFFFF80];
	[tilespmem:s31+$0x30] =	vst v10  }
0x1c8: {  	v10 =	vld [tilespmem:s14+$0x0];
	[tilespmem:s31+$0xFFFFFF30] =	vst v11  }
0x1c9: {  	v11 =	vld [tilespmem:s14+$0xFFFFFF00];
	[tilespmem:s30+$0x50] =	vst v8;
	s30 =	smov.u32 s31;
	s31 =	sadd.s32 $0x200, s31  }
0x1ca: {  	[tilespmem:s31+$0x80] =	vst v13;
	v8 =	vld [tilespmem:s16+$0xFFFFFF00]  }
0x1cb: {  	v13 =	vld [tilespmem:s14+$0x90];
	[tilespmem:s30+$0xC0] =	vst v9  }
0x1cc: {  	[tilespmem:s31+$0xFFFFFF80] =	vst v12;
	v9 =	vld [tilespmem:s16+$0x90]  }
0x1cd: {  	v12 =	vld [tilespmem:s14+$0xFFFFFF90];
	[tilespmem:s31+$0x0] =	vst v10  }
0x1ce: {  	[tilespmem:s31+$0xFFFFFF00] =	vst v11;
	v10 =	vld [tilespmem:s14+$0x10]  }
0x1cf: {  	v11 =	vld [tilespmem:s14+$0xFFFFFF10];
	[tilespmem:s30+$0xFFFFFF40] =	vst v8  }
0x1d0: {  	[tilespmem:s31+$0x90] =	vst v13;
	v8 =	vld [tilespmem:s16+$0xFFFFFF80]  }
0x1d1: {  	s22 =	sadd.s32 $0x200, s22;
	v13 =	vld [tilespmem:s16+$0x0];
	[tilespmem:s30+$0xD0] =	vst v9  }
0x1d2: {  	[tilespmem:s31+$0xFFFFFF90] =	vst v12;
	v9 =	vld [tilespmem:s22+$0x80]  }
0x1d3: {  	v12 =	vld [tilespmem:s22+$0xFFFFFF80];
	[tilespmem:s31+$0x10] =	vst v10  }
0x1d4: {  	[tilespmem:s31+$0xFFFFFF10] =	vst v11;
	v10 =	vld [tilespmem:s22+$0x0]  }
0x1d5: {  	v11 =	vld [tilespmem:s22+$0xFFFFFF00];
	[tilespmem:s30+$0xFFFFFFC0] =	vst v8  }
0x1d6: {  	v8 =	vld [tilespmem:s16+$0xFFFFFF10];
	[tilespmem:s30+$0x40] =	vst v13  }
0x1d7: {  	[tilespmem:s31+$0xA0] =	vst v9;
	v13 =	vld [tilespmem:s16+$0xFFFFFF90]  }
.Ltmp3:
0x1d8: {  	[tilespmem:s31+$0xFFFFFFA0] =	vst v12;
	v12 =	vld [tilespmem:s22+$0x90];
	(pc) =	sbr.rel @p0 .LBB2_8-.Ltmp3, $4  }
0x1d9: {  	v9 =	vld [tilespmem:s22+$0xFFFFFF90];
	[tilespmem:s31+$0x20] =	vst v10  }
0x1da: {  	[tilespmem:s31+$0xFFFFFF20] =	vst v11;
	v10 =	vld [tilespmem:s22+$0x10]  }
0x1db: {  	v11 =	vld [tilespmem:s22+$0xFFFFFF10];
	[tilespmem:s30+$0xFFFFFF50] =	vst v8  }
0x1dc: {  	s14 =	sadd.s32 $0x200, s14;
	[tilespmem:s30+$0xFFFFFFD0] =	vst v13;
	v8 =	vld [tilespmem:s16+$0x10]  }
0x1dd: {  	[tilespmem:s31+$0xB0] =	vst v12;
	s14 =	sadd.s32 $0x200, s16  }
0x1de: {  	v12 =	vld [tilespmem:s14+$0x80];
	[tilespmem:s31+$0xFFFFFFB0] =	vst v9  }
0x1df: {  	[tilespmem:s31+$0x30] =	vst v10;
	v62 =	vld [tilespmem:s14+$0xFFFFFF80]  }
0x1e0: {  	[tilespmem:s31+$0xFFFFFF30] =	vst v11;
	v63 =	vld [tilespmem:s14+$0x0]  }
0x1e1: {  	v61 =	vld [tilespmem:s14+$0xFFFFFF00];
	_ =	sdelay $0x1  }
0x1e2: {  	[tilespmem:s31+$0xC0] =	vst v12  }
0x1e3: {  	v12 =	vld [tilespmem:s14+$0x90];
	[tilespmem:s31+$0xFFFFFFC0] =	vst v62  }
0x1e4: {  	[tilespmem:s31+$0x40] =	vst v63;
	v10 =	vld [tilespmem:s14+$0xFFFFFF90]  }
0x1e5: {  	[tilespmem:s31+$0xFFFFFF40] =	vst v61;
	v11 =	vld [tilespmem:s14+$0x10]  }
0x1e6: {  	v9 =	vld [tilespmem:s14+$0xFFFFFF10]  }
0x1e7: {  	[tilespmem:s30+$0x50] =	vst v8  }
0x1e8: {  	[tilespmem:s31+$0xD0] =	vst v12  }
0x1e9: {  	[tilespmem:s31+$0xFFFFFFD0] =	vst v10  }
0x1ea: {  	[tilespmem:s31+$0x50] =	vst v11  }
0x1eb: {  	[tilespmem:s31+$0xFFFFFF50] =	vst v9  }
0x1ec: {  	v8 =	vld [tilespmem:$0x780];
	_ =	sdelay $0x4  }
0x1ed: {  	[tilespmem:v0+s28+$0x0] =	vst.idx.msk $0xffff, v8  }
0x1ee: {  	v8 =	vld [tilespmem:$0x790];
	_ =	sdelay $0x4  }
0x1ef: {  	[tilespmem:v1+s28+$0x0] =	vst.idx.msk $0xffff, v8  }
0x1f0: {  	v8 =	vld [tilespmem:$0x7A0];
	_ =	sdelay $0x4  }
0x1f1: {  	[tilespmem:v2+s28+$0x0] =	vst.idx.msk $0xffff, v8  }
0x1f2: {  	v8 =	vld [tilespmem:$0x7B0];
	_ =	sdelay $0x4  }
0x1f3: {  	[tilespmem:v3+s28+$0x0] =	vst.idx.msk $0xffff, v8  }
0x1f4: {  	v8 =	vld [tilespmem:$0x7C0];
	_ =	sdelay $0x4  }
0x1f5: {  	[tilespmem:v4+s28+$0x0] =	vst.idx.msk $0xffff, v8  }
0x1f6: {  	v8 =	vld [tilespmem:$0x7D0];
	_ =	sdelay $0x4  }
0x1f7: {  	[tilespmem:v5+s28+$0x0] =	vst.idx.msk $0xffff, v8  }
0x1f8: {  	v8 =	vld [tilespmem:$0x7E0];
	_ =	sdelay $0x4  }
0x1f9: {  	[tilespmem:v6+s28+$0x0] =	vst.idx.msk $0xffff, v8  }
0x1fa: {  	v8 =	vld [tilespmem:$0x7F0];
	_ =	sdelay $0x2  }
0x1fb: {  	s29 =	sadd.s32 $0x1, s29  }
0x1fc: {  	p0 =	sne.s32 s29, s12  }
.Ltmp4:
0x1fd: {  	[tilespmem:v7+s28+$0x0] =	vst.idx.msk $0xffff, v8;
	(pc) =	sbr.rel @p0 .LBB2_1-.Ltmp4, $4  }
0x1fe: {  	[hbm4b:s11+s2] =	stream.linear.scatter [tilespmem:s28], [sflag:$0x3], $0x4000, $0x38;
	[tilespmem:$0x1C800] =	vst v63  }
0x1ff: {  	_ =	swait.ge [sflag:s1], $0x4000  }
0x200: {  	[sflag:s1] =	ssyncset.done $0x0  }
0x201: {  	[sflag:s1] =	ssyncadd.s32 $0xFFFFC000  }
0x202: {  	_ =	sfence.sel $0x180000  }
0x203: {  	[bflag:$0x0] =	sbarrier.arrive $0xFFFF  }
0x204: {  	_ =	strace $0x90000047  }
0x205: {  	s0 =	stileid.u32;
	[bflag:$0x2] =	sbarrier.arrive $0xFFFF  }
0x206: {  	p0 =	sne.s32 s0, $0x0;
	s0 =	rddreg [dreg:$0x2]  }
0x207: {  	s0 =	sadd.s32 @!p0 $0x100000, s0  }
0x208: {  	[sflag:s0] =	ssyncadd.tile.s32 @!p0 $0x1;
	_ =	shalt  }
.Lfunc_end2:
_tile_overlayer_lowered:
.L_overlay_start_2:
0x209: {  	(tag) =	ssettag $0x2  }
0x20a: {  	s0 =	rddreg [dreg:$0x0];
	s2 =	stileid.u32  }
0x20b: {  	s1 =	rddreg [dreg:$0x1];
	p0 =	sne.s32 s2, $0x0  }
0x20c: {  	s3 =	rddreg [dreg:$0x2];
	[bflag:$0x3] =	sbarrier.arrive $0xFFFF;
	s2 =	simm.s32 @!p0 $0x1C04  }
0x20d: {  	[timem:s3], [sflag:s2] =	dma.local @!p0 [hbm:s0], s1  }
0x20e: {  	s0 =	simm.s32 @!p0 $0x4  }
0x20f: {  	_ =	swait.ge @!p0 [sflag:s0], s1  }
0x210: {  	s1 =	ssub.s32 @!p0 $0x0, s1;
	[sflag:s0] =	ssyncset.done @!p0 $0x0  }
0x211: {  	[sflag:s0] =	ssyncadd.s32 @!p0 s1  }
0x212: {  	[bflag:$0x3] =	sbarrier.arrive $0xFFFF  }
0x213: {  	_ =	shalt  }

</sc_bundles>
